<compile_context>
chip_gen: v7x
topology: tpu7x:2x2x1
jax: 0.10.2.dev20260603
libtpu: 0.0.44.dev20260713+nightly
codegen_flags: <defaults>
</compile_context>

<pallas_src>
import functools

import jax
import jax.numpy as jnp
from jax import lax
from jax.experimental import pallas as pl
from jax.experimental.pallas import tpu as pltpu
from jax.experimental.pallas import tpu_sc as plsc

N = 10000
C = 64
D = 256
E = 160000

NSC = 2
NS = 16
L = 16
K = 80
EP = E // NS
NB = EP // K
DH = D // NSC
NH = N // NSC
HTRASH = NH * C
HSZ = NH * C + 8
NA = N


def _argmax_body(logits_ref, out_ref):
    x = logits_ref[...]
    m = jnp.max(x, axis=1, keepdims=True)
    iot = lax.broadcasted_iota(jnp.int32, x.shape, 1)
    out_ref[...] = jnp.min(jnp.where(x == m, iot, C), axis=1)


def _edge_body(src_hbm, dst_hbm, cp_hbm, feats_hbm, za_hbm, zh_hbm,
               agg_out, hist_out,
               src_r, dst_r, cls_r, keys_r, ones_v, rows_v, agg_s, hist_s,
               sem_a, sem_b, sem_g, sem_c, sem_s, sem_h):
    c = lax.axis_index("c")
    s = lax.axis_index("s")

    @pl.when(s == 0)
    def _():
        pltpu.sync_copy(za_hbm, agg_s.at[pl.ds(0, N)])

    @pl.when(s == 1)
    def _():
        pltpu.sync_copy(zh_hbm, hist_s)

    for i in range(K // L):
        ones_v[pl.ds(i * L, L)] = jnp.full((L,), 1.0, jnp.float32)
    nbase = c * NH
    plsc.subcore_barrier()

    ebase = s * EP

    def issue_idx(j, slot):
        pltpu.async_copy(src_hbm.at[pl.ds(ebase + j * K, K)], src_r.at[slot],
                         sem_a)
        pltpu.async_copy(dst_hbm.at[pl.ds(ebase + j * K, K)], dst_r.at[slot],
                         sem_b)

    def wait_idx(slot):
        pltpu.make_async_copy(src_hbm.at[pl.ds(ebase, K)], src_r.at[slot],
                              sem_a).wait()
        pltpu.make_async_copy(dst_hbm.at[pl.ds(ebase, K)], dst_r.at[slot],
                              sem_b).wait()

    def issue_gathers(islot, rslot):
        pltpu.async_copy(feats_hbm.at[c].at[src_r.at[islot]],
                         rows_v.at[rslot], sem_g)
        pltpu.async_copy(cp_hbm.at[src_r.at[islot]], cls_r.at[rslot], sem_c)

    pltpu.sync_copy(src_hbm.at[pl.ds(ebase, K)], src_r.at[0])
    pltpu.sync_copy(dst_hbm.at[pl.ds(ebase, K)], dst_r.at[0])
    issue_gathers(0, 0)
    issue_idx(1, 1)

    def wait_scat(r2, r3):
        pltpu.make_async_copy(rows_v.at[r2], agg_s.at[dst_r.at[r3]],
                              sem_s).wait()

    def wait_hist(slot):
        pltpu.make_async_copy(ones_v, hist_s.at[keys_r.at[slot]],
                              sem_h).wait()

    def body(j, carry):
        r2 = lax.rem(j, 2)
        r2n = lax.rem(j + 1, 2)
        r3 = lax.rem(j, 3)
        r3n = lax.rem(j + 1, 3)
        r3nn = lax.rem(j + 2, 3)

        @pl.when(j + 1 < NB)
        def _():
            wait_idx(r3n)

        @pl.when(j >= 1)
        def _():
            wait_scat(r2n, lax.rem(j + 2, 3))

        @pl.when(j + 1 < NB)
        def _():
            issue_gathers(r3n, r2n)

        @pl.when(j + 2 < NB)
        def _():
            issue_idx(j + 2, r3nn)

        pltpu.make_async_copy(feats_hbm.at[c].at[src_r.at[r3]],
                              rows_v.at[r2], sem_g).wait()
        pltpu.async_copy(rows_v.at[r2], agg_s.at[dst_r.at[r3]], sem_s,
                         add=True)

        pltpu.make_async_copy(cp_hbm.at[src_r.at[r3]], cls_r.at[r2],
                              sem_c).wait()

        @pl.when(j >= 2)
        def _():
            wait_hist(r2)

        for i in range(K // L):
            dv = dst_r[r3, pl.ds(i * L, L)]
            cv = cls_r[r2, pl.ds(i * L, L)]
            lk = (dv - nbase) * C + cv
            owned = (dv >= nbase) & (dv < nbase + NH)
            keys_r[r2, pl.ds(i * L, L)] = jnp.where(
                owned, lk, jnp.full((L,), HTRASH, jnp.int32))
        pltpu.async_copy(ones_v, hist_s.at[keys_r.at[r2]], sem_h, add=True)
        return carry

    lax.fori_loop(0, NB, body, 0)
    wait_scat(lax.rem(NB - 1, 2), lax.rem(NB - 1, 3))
    wait_hist(lax.rem(NB - 2, 2))
    wait_hist(lax.rem(NB - 1, 2))
    plsc.subcore_barrier()

    @pl.when(s == 0)
    def _():
        pltpu.sync_copy(agg_s.at[pl.ds(0, N)], agg_out.at[c])

    @pl.when(s == 1)
    def _():
        pltpu.sync_copy(hist_s, hist_out.at[c, 0])


BLK = 1000


def _finish_body(h_ref, cp_ref, oz_ref, t1_ref, t2_ref,
                 feats_ref, a0_ref, a1_ref, out_ref, z_ref, gn_s):
    i = pl.program_id(0)

    @pl.when(i == 0)
    def _():
        counts = h_ref[...]
        degs = jnp.maximum(jnp.sum(counts, axis=1, keepdims=True), 1.0)
        cpv = cp_ref[...]
        iot = lax.broadcasted_iota(jnp.int32, (N, C), 1)
        f1 = (jnp.sum(jnp.where(iot == cpv, counts, 0.0), axis=1,
                      keepdims=True) / degs)
        p = jnp.maximum(counts / degs, 1e-5)
        f2 = -jnp.sum(p * jnp.log(p), axis=1, keepdims=True)

        def ln(x):
            m = jnp.mean(x)
            v = jnp.mean((x - m) ** 2)
            return (x - m) * lax.rsqrt(v + 1e-5)

        z = (jax.nn.sigmoid(-(ln(f1) - t1_ref[0])) *
             jax.nn.sigmoid(-(ln(f2) - t2_ref[0])))
        gate = jnp.minimum(oz_ref[...], z)
        gn_s[...] = gate * lax.rsqrt(degs)
        z_ref[...] = z

    g = gn_s[pl.ds(i * BLK, BLK), :]
    out_ref[:, :DH] = feats_ref[:, :DH] + g * a0_ref[...]
    out_ref[:, DH:] = feats_ref[:, DH:] + g * a1_ref[...]


def kernel(feats, logits, old_z, tau1, tau2, edge_index):
    src = edge_index[0]
    dst = edge_index[1]

    cp = pl.pallas_call(
        _argmax_body,
        out_shape=jax.ShapeDtypeStruct((N,), jnp.int32),
    )(logits)

    feats2 = feats.reshape(N, NSC, DH).transpose(1, 0, 2)
    za = jnp.zeros((N, DH), jnp.float32)
    zh = jnp.zeros((HSZ,), jnp.float32)

    mesh = plsc.VectorSubcoreMesh(core_axis_name="c", subcore_axis_name="s")
    edge_kernel = functools.partial(
        pl.kernel,
        out_type=[jax.ShapeDtypeStruct((NSC, N, DH), jnp.float32),
                  jax.ShapeDtypeStruct((NSC, 1, HSZ), jnp.float32)],
        mesh=mesh,
        scratch_types=[
            pltpu.VMEM((3, K), jnp.int32),
            pltpu.VMEM((3, K), jnp.int32),
            pltpu.VMEM((2, K), jnp.int32),
            pltpu.VMEM((2, K), jnp.int32),
            pltpu.VMEM((K,), jnp.float32),
            pltpu.VMEM((2, K, DH), jnp.float32),
            pltpu.VMEM_SHARED((NA, DH), jnp.float32),
            pltpu.VMEM_SHARED((HSZ,), jnp.float32),
            pltpu.SemaphoreType.DMA,
            pltpu.SemaphoreType.DMA,
            pltpu.SemaphoreType.DMA,
            pltpu.SemaphoreType.DMA,
            pltpu.SemaphoreType.DMA,
            pltpu.SemaphoreType.DMA,
        ],
        compiler_params=pltpu.CompilerParams(needs_layout_passes=False),
    )(_edge_body)
    agg2, hist2 = edge_kernel(src, dst, cp, feats2, za, zh)

    counts = jnp.concatenate(
        [hist2[0, 0, :NH * C].reshape(NH, C),
         hist2[1, 0, :NH * C].reshape(NH, C)], axis=0)

    new_h, z2 = pl.pallas_call(
        _finish_body,
        grid=(N // BLK,),
        in_specs=[
            pl.BlockSpec((N, C), lambda i: (0, 0)),
            pl.BlockSpec((N, 1), lambda i: (0, 0)),
            pl.BlockSpec((N, 1), lambda i: (0, 0)),
            pl.BlockSpec((1,), lambda i: (0,)),
            pl.BlockSpec((1,), lambda i: (0,)),
            pl.BlockSpec((BLK, D), lambda i: (i, 0)),
            pl.BlockSpec((BLK, DH), lambda i: (i, 0)),
            pl.BlockSpec((BLK, DH), lambda i: (i, 0)),
        ],
        out_specs=[pl.BlockSpec((BLK, D), lambda i: (i, 0)),
                   pl.BlockSpec((N, 1), lambda i: (0, 0))],
        out_shape=[jax.ShapeDtypeStruct((N, D), jnp.float32),
                   jax.ShapeDtypeStruct((N, 1), jnp.float32)],
        scratch_shapes=[pltpu.VMEM((N, 1), jnp.float32)],
    )(counts, cp.reshape(N, 1), old_z.reshape(N, 1), tau1, tau2,
      feats, agg2[0], agg2[1])

    return (new_h, z2.reshape(N))

# --- scband reference (transcript-rebuilt; emitter-appended) ---
"""Pipeline reference for scband-gated-layer-25512105738336 (READ-ONLY COPY).

The authoritative reference and input builder live on the scoring server;
editing this copy changes nothing except your own understanding.
"""

import jax, jax.numpy as jnp
import numpy as np

N = 10000
C = 64
D = 256
E = 160000


def setup_inputs(seed: int = 0) -> dict:
    key = jax.random.key(seed)
    ks = jax.random.split(key, 6)
    feats = jax.random.normal(ks[0], (N, D), dtype=jnp.float32)
    logits = jax.random.normal(ks[1], (N, C), dtype=jnp.float32)
    old_z = jax.random.uniform(ks[2], (N,), dtype=jnp.float32)
    tau1 = jax.random.uniform(ks[3], (1,), dtype=jnp.float32)
    tau2 = jax.random.uniform(ks[4], (1,), dtype=jnp.float32)
    edge_index = jax.random.randint(ks[5], (2, E), 0, N, dtype=jnp.int32)
    return {"feats": feats, "logits": logits, "old_z": old_z, "tau1": tau1, "tau2": tau2, "edge_index": edge_index}


def _forward(feats, logits, old_z, tau1, tau2, edge_index):
    src = edge_index[0]
    dst = edge_index[1]
    # degrees: in-degree per node, clamp(min=1)
    degs = jnp.maximum(jnp.bincount(dst, length=N).astype(jnp.float32), 1.0)
    norm = jnp.power(degs, -0.5)[:, None]
    h = feats  # dropout p=0.0 (eval mode)
    # adaptive_reduce_func: messages are neighbor logits (copy_u from src to dst mailbox)
    pred_e = jnp.argmax(logits[src], axis=1)
    center_pred = jnp.argmax(logits, axis=1)
    f1 = jax.ops.segment_sum((pred_e == center_pred[dst]).astype(jnp.float32), dst, num_segments=N) / degs
    onehot = jax.nn.one_hot(pred_e, C, dtype=jnp.float32)
    cnts_p = jax.ops.segment_sum(onehot, dst, num_segments=N) / degs[:, None]
    cnts_p = jnp.maximum(cnts_p, 1e-05)
    f2 = -1.0 * jnp.sum(cnts_p * jnp.log(cnts_p), axis=1)
    # both f1 and f2 are detached in the torch code
    f1 = jax.lax.stop_gradient(f1)
    f2 = jax.lax.stop_gradient(f2)

    def _ln(x):  # LayerNorm(num_nodes, elementwise_affine=False), eps=1e-5
        m = jnp.mean(x)
        v = jnp.var(x)
        return (x - m) / jnp.sqrt(v + 1e-05)

    norm_f1 = _ln(f1)
    norm_f2 = _ln(f2)
    # share_tau=True -> use tau1/tau2 passed to forward
    z = jax.nn.sigmoid(-1.0 * (norm_f1 - tau1)) * jax.nn.sigmoid(-1.0 * (norm_f2 - tau2))
    gate = jnp.minimum(old_z, z)
    # update_all(copy_u('h'), sum) -> scatter-add of src features to dst
    agg = jax.ops.segment_sum(h[src], dst, num_segments=N)
    normagg = agg * norm
    # activation is None
    new_h = h + gate[:, None] * normagg
    return (new_h, z)


def reference(feats, logits, old_z, tau1, tau2, edge_index):
    return _forward(feats, logits, old_z, tau1, tau2, edge_index)

if __name__ == "__main__":
    import jax
    _d = setup_inputs()
    print(jax.jit(kernel)(*tuple(_d.values())))

</pallas_src>

<mosaic_0001>
#map = affine_map<(d0, d1) -> (0)>
#map1 = affine_map<(d0, d1) -> (0, 0, 0)>
#map2 = affine_map<(d0, d1) -> (0, 0)>
module attributes {stable_mosaic.version = 14 : i64} {
  func.func @_edge_body(%arg0: i32, %arg1: i32, %arg2: memref<160000xi32, #tpu.memory_space<hbm>>, %arg3: memref<160000xi32, #tpu.memory_space<hbm>>, %arg4: memref<10000xi32, #tpu.memory_space<hbm>>, %arg5: memref<2x10000x128xf32, #tpu.memory_space<hbm>>, %arg6: memref<10000x128xf32, #tpu.memory_space<hbm>>, %arg7: memref<320008xf32, #tpu.memory_space<hbm>>, %arg8: memref<2x10000x128xf32, #tpu.memory_space<hbm>>, %arg9: memref<2x1x320008xf32, #tpu.memory_space<hbm>>, %arg10: memref<3x80xi32, #tpu.memory_space<vmem>>, %arg11: memref<3x80xi32, #tpu.memory_space<vmem>>, %arg12: memref<2x80xi32, #tpu.memory_space<vmem>>, %arg13: memref<2x80xi32, #tpu.memory_space<vmem>>, %arg14: memref<80xf32, #tpu.memory_space<vmem>>, %arg15: memref<2x80x128xf32, #tpu.memory_space<vmem>>, %arg16: memref<10000x128xf32, #tpu.memory_space<vmem_shared>>, %arg17: memref<320008xf32, #tpu.memory_space<vmem_shared>>, %arg18: memref<!tpu.dma_semaphore, #tpu.memory_space<semaphore_mem>>, %arg19: memref<!tpu.dma_semaphore, #tpu.memory_space<semaphore_mem>>, %arg20: memref<!tpu.dma_semaphore, #tpu.memory_space<semaphore_mem>>, %arg21: memref<!tpu.dma_semaphore, #tpu.memory_space<semaphore_mem>>, %arg22: memref<!tpu.dma_semaphore, #tpu.memory_space<semaphore_mem>>, %arg23: memref<!tpu.dma_semaphore, #tpu.memory_space<semaphore_mem>>) attributes {dimension_semantics = [#tpu.dimension_semantics<core_parallel>, #tpu.dimension_semantics<subcore_parallel>], iteration_bounds = array<i64: 2, 16>, scalar_prefetch = 0 : i64, scratch_operands = 14 : i64, tpu.core_type = #tpu.core_type<sc_vector_subcore>, window_params = [{transform_indices = #map}, {transform_indices = #map}, {transform_indices = #map}, {transform_indices = #map1}, {transform_indices = #map2}, {transform_indices = #map}, {transform_indices = #map1}, {transform_indices = #map1}]} {
    %eq3A = arith.constant 0 : i32
    %eq3A_0 = arith.cmpi eq, %arg1, %eq3A : i32
    %convert_element_type3A = arith.extui %eq3A_0 : i1 to i32
    %cond3A = arith.constant 0 : i32
    %cond3A_1 = arith.cmpi ne, %convert_element_type3A, %cond3A : i32
    scf.if %cond3A_1 {
      "tpu.region"() ({
        %run_scoped3A_121 = tpu.sem_alloc : memref<!tpu.dma_semaphore, #tpu.memory_space<semaphore_mem>>
        %dma_start3A_122 = arith.constant 0 : i32
        %dma_start3A_123 = arith.constant 0 : i32
        %dma_start3A_124 = tpu.memref_slice %arg16[%dma_start3A_122, %dma_start3A_123] : memref<10000x128xf32, #tpu.memory_space<vmem_shared>> -> memref<10000x128xf32, #tpu.memory_space<vmem_shared>>
        tpu.enqueue_dma source(%arg6 : memref<10000x128xf32, #tpu.memory_space<hbm>>) target(%dma_start3A_124 : memref<10000x128xf32, #tpu.memory_space<vmem_shared>>) target_semaphore(%run_scoped3A_121 : memref<!tpu.dma_semaphore, #tpu.memory_space<semaphore_mem>>)
        %dma_wait3A_125 = arith.constant 0 : i32
        %dma_wait3A_126 = arith.constant 0 : i32
        %dma_wait3A_127 = tpu.memref_slice %arg16[%dma_wait3A_125, %dma_wait3A_126] : memref<10000x128xf32, #tpu.memory_space<vmem_shared>> -> memref<10000x128xf32, #tpu.memory_space<vmem_shared>>
        tpu.wait_dma2 semaphore(%run_scoped3A_121 : memref<!tpu.dma_semaphore, #tpu.memory_space<semaphore_mem>>) src(%arg6 : memref<10000x128xf32, #tpu.memory_space<hbm>>) dst(%dma_wait3A_127 : memref<10000x128xf32, #tpu.memory_space<vmem_shared>>)
        tpu.yield
      }) : () -> ()
    } else {
    }
    %eq3A_2 = arith.constant 1 : i32
    %eq3A_3 = arith.cmpi eq, %arg1, %eq3A_2 : i32
    %convert_element_type3A_4 = arith.extui %eq3A_3 : i1 to i32
    %cond3A_5 = arith.constant 0 : i32
    %cond3A_6 = arith.cmpi ne, %convert_element_type3A_4, %cond3A_5 : i32
    scf.if %cond3A_6 {
      "tpu.region"() ({
        %run_scoped3A_121 = tpu.sem_alloc : memref<!tpu.dma_semaphore, #tpu.memory_space<semaphore_mem>>
        tpu.enqueue_dma source(%arg7 : memref<320008xf32, #tpu.memory_space<hbm>>) target(%arg17 : memref<320008xf32, #tpu.memory_space<vmem_shared>>) target_semaphore(%run_scoped3A_121 : memref<!tpu.dma_semaphore, #tpu.memory_space<semaphore_mem>>)
        tpu.wait_dma2 semaphore(%run_scoped3A_121 : memref<!tpu.dma_semaphore, #tpu.memory_space<semaphore_mem>>) src(%arg7 : memref<320008xf32, #tpu.memory_space<hbm>>) dst(%arg17 : memref<320008xf32, #tpu.memory_space<vmem_shared>>)
        tpu.yield
      }) : () -> ()
    } else {
    }
    %broadcast_in_dim3A = arith.constant 1.000000e+00 : f32
    %broadcast_in_dim3A_7 = vector.broadcast %broadcast_in_dim3A : f32 to vector<16xf32>
    %swap3A = arith.constant 0 : index
    %swap3A_8 = tpu.vector_load %arg14[%swap3A] {strides = array<i32>} : memref<80xf32, #tpu.memory_space<vmem>>, vector<16xf32>,
    tpu.vector_store %arg14[%swap3A], %broadcast_in_dim3A_7 {strides = array<i32>} : memref<80xf32, #tpu.memory_space<vmem>>, vector<16xf32>,
    %broadcast_in_dim3A_9 = arith.constant 1.000000e+00 : f32
    %broadcast_in_dim3A_10 = vector.broadcast %broadcast_in_dim3A_9 : f32 to vector<16xf32>
    %swap3A_11 = arith.constant 16 : index
    %swap3A_12 = tpu.vector_load %arg14[%swap3A_11] {strides = array<i32>} : memref<80xf32, #tpu.memory_space<vmem>>, vector<16xf32>,
    tpu.vector_store %arg14[%swap3A_11], %broadcast_in_dim3A_10 {strides = array<i32>} : memref<80xf32, #tpu.memory_space<vmem>>, vector<16xf32>,
    %broadcast_in_dim3A_13 = arith.constant 1.000000e+00 : f32
    %broadcast_in_dim3A_14 = vector.broadcast %broadcast_in_dim3A_13 : f32 to vector<16xf32>
    %swap3A_15 = arith.constant 32 : index
    %swap3A_16 = tpu.vector_load %arg14[%swap3A_15] {strides = array<i32>} : memref<80xf32, #tpu.memory_space<vmem>>, vector<16xf32>,
    tpu.vector_store %arg14[%swap3A_15], %broadcast_in_dim3A_14 {strides = array<i32>} : memref<80xf32, #tpu.memory_space<vmem>>, vector<16xf32>,
    %broadcast_in_dim3A_17 = arith.constant 1.000000e+00 : f32
    %broadcast_in_dim3A_18 = vector.broadcast %broadcast_in_dim3A_17 : f32 to vector<16xf32>
    %swap3A_19 = arith.constant 48 : index
    %swap3A_20 = tpu.vector_load %arg14[%swap3A_19] {strides = array<i32>} : memref<80xf32, #tpu.memory_space<vmem>>, vector<16xf32>,
    tpu.vector_store %arg14[%swap3A_19], %broadcast_in_dim3A_18 {strides = array<i32>} : memref<80xf32, #tpu.memory_space<vmem>>, vector<16xf32>,
    %broadcast_in_dim3A_21 = arith.constant 1.000000e+00 : f32
    %broadcast_in_dim3A_22 = vector.broadcast %broadcast_in_dim3A_21 : f32 to vector<16xf32>
    %swap3A_23 = arith.constant 64 : index
    %swap3A_24 = tpu.vector_load %arg14[%swap3A_23] {strides = array<i32>} : memref<80xf32, #tpu.memory_space<vmem>>, vector<16xf32>,
    tpu.vector_store %arg14[%swap3A_23], %broadcast_in_dim3A_22 {strides = array<i32>} : memref<80xf32, #tpu.memory_space<vmem>>, vector<16xf32>,
    %mul3A = arith.constant 5000 : i32
    %mul3A_25 = arith.muli %arg0, %mul3A : i32
    %barrier3A = arith.constant 0 : index
    tpu.barrier barrier_id(%barrier3A)
    %mul3A_26 = arith.constant 10000 : i32
    %mul3A_27 = arith.muli %arg1, %mul3A_26 : i32
    %run_scoped3A = arith.constant 0 : i32
    "tpu.region"() ({
      %run_scoped3A_121 = tpu.sem_alloc : memref<!tpu.dma_semaphore, #tpu.memory_space<semaphore_mem>>
      %dma_start3A_122 = arith.constant 0 : i32
      %dma_start3A_123 = tpu.memref_slice %arg10[%run_scoped3A, %dma_start3A_122] : memref<3x80xi32, #tpu.memory_space<vmem>> -> memref<1x80xi32, #tpu.memory_space<vmem>>
      %dma_start3A_124 = tpu.memref_squeeze %dma_start3A_123 : memref<1x80xi32, #tpu.memory_space<vmem>> -> memref<80xi32, #tpu.memory_space<vmem>>
      %dma_start3A_125 = tpu.memref_slice %arg2[%mul3A_27] : memref<160000xi32, #tpu.memory_space<hbm>> -> memref<80xi32, #tpu.memory_space<hbm>>
      %dma_start3A_126 = arith.constant 0 : i32
      %dma_start3A_127 = tpu.memref_slice %arg10[%run_scoped3A, %dma_start3A_126] : memref<3x80xi32, #tpu.memory_space<vmem>> -> memref<1x80xi32, #tpu.memory_space<vmem>>
      %dma_start3A_128 = tpu.memref_squeeze %dma_start3A_127 : memref<1x80xi32, #tpu.memory_space<vmem>> -> memref<80xi32, #tpu.memory_space<vmem>>
      %dma_start3A_129 = tpu.memref_slice %arg2[%mul3A_27] : memref<160000xi32, #tpu.memory_space<hbm>> -> memref<80xi32, #tpu.memory_space<hbm>>
      tpu.enqueue_dma source(%dma_start3A_129 : memref<80xi32, #tpu.memory_space<hbm>>) target(%dma_start3A_128 : memref<80xi32, #tpu.memory_space<vmem>>) target_semaphore(%run_scoped3A_121 : memref<!tpu.dma_semaphore, #tpu.memory_space<semaphore_mem>>)
      %dma_wait3A_130 = arith.constant 0 : i32
      %dma_wait3A_131 = tpu.memref_slice %arg10[%run_scoped3A, %dma_wait3A_130] : memref<3x80xi32, #tpu.memory_space<vmem>> -> memref<1x80xi32, #tpu.memory_space<vmem>>
      %dma_wait3A_132 = tpu.memref_squeeze %dma_wait3A_131 : memref<1x80xi32, #tpu.memory_space<vmem>> -> memref<80xi32, #tpu.memory_space<vmem>>
      %dma_wait3A_133 = tpu.memref_slice %arg2[%mul3A_27] : memref<160000xi32, #tpu.memory_space<hbm>> -> memref<80xi32, #tpu.memory_space<hbm>>
      %dma_wait3A_134 = arith.constant 0 : i32
      %dma_wait3A_135 = tpu.memref_slice %arg10[%run_scoped3A, %dma_wait3A_134] : memref<3x80xi32, #tpu.memory_space<vmem>> -> memref<1x80xi32, #tpu.memory_space<vmem>>
      %dma_wait3A_136 = tpu.memref_squeeze %dma_wait3A_135 : memref<1x80xi32, #tpu.memory_space<vmem>> -> memref<80xi32, #tpu.memory_space<vmem>>
      %dma_wait3A_137 = tpu.memref_slice %arg2[%mul3A_27] : memref<160000xi32, #tpu.memory_space<hbm>> -> memref<80xi32, #tpu.memory_space<hbm>>
      tpu.wait_dma2 semaphore(%run_scoped3A_121 : memref<!tpu.dma_semaphore, #tpu.memory_space<semaphore_mem>>) src(%dma_wait3A_137 : memref<80xi32, #tpu.memory_space<hbm>>) dst(%dma_wait3A_136 : memref<80xi32, #tpu.memory_space<vmem>>)
      tpu.yield
    }) : () -> ()
    %run_scoped3A_28 = arith.constant 0 : i32
    "tpu.region"() ({
      %run_scoped3A_121 = tpu.sem_alloc : memref<!tpu.dma_semaphore, #tpu.memory_space<semaphore_mem>>
      %dma_start3A_122 = arith.constant 0 : i32
      %dma_start3A_123 = tpu.memref_slice %arg11[%run_scoped3A_28, %dma_start3A_122] : memref<3x80xi32, #tpu.memory_space<vmem>> -> memref<1x80xi32, #tpu.memory_space<vmem>>
      %dma_start3A_124 = tpu.memref_squeeze %dma_start3A_123 : memref<1x80xi32, #tpu.memory_space<vmem>> -> memref<80xi32, #tpu.memory_space<vmem>>
      %dma_start3A_125 = tpu.memref_slice %arg3[%mul3A_27] : memref<160000xi32, #tpu.memory_space<hbm>> -> memref<80xi32, #tpu.memory_space<hbm>>
      %dma_start3A_126 = arith.constant 0 : i32
      %dma_start3A_127 = tpu.memref_slice %arg11[%run_scoped3A_28, %dma_start3A_126] : memref<3x80xi32, #tpu.memory_space<vmem>> -> memref<1x80xi32, #tpu.memory_space<vmem>>
      %dma_start3A_128 = tpu.memref_squeeze %dma_start3A_127 : memref<1x80xi32, #tpu.memory_space<vmem>> -> memref<80xi32, #tpu.memory_space<vmem>>
      %dma_start3A_129 = tpu.memref_slice %arg3[%mul3A_27] : memref<160000xi32, #tpu.memory_space<hbm>> -> memref<80xi32, #tpu.memory_space<hbm>>
      tpu.enqueue_dma source(%dma_start3A_129 : memref<80xi32, #tpu.memory_space<hbm>>) target(%dma_start3A_128 : memref<80xi32, #tpu.memory_space<vmem>>) target_semaphore(%run_scoped3A_121 : memref<!tpu.dma_semaphore, #tpu.memory_space<semaphore_mem>>)
      %dma_wait3A_130 = arith.constant 0 : i32
      %dma_wait3A_131 = tpu.memref_slice %arg11[%run_scoped3A_28, %dma_wait3A_130] : memref<3x80xi32, #tpu.memory_space<vmem>> -> memref<1x80xi32, #tpu.memory_space<vmem>>
      %dma_wait3A_132 = tpu.memref_squeeze %dma_wait3A_131 : memref<1x80xi32, #tpu.memory_space<vmem>> -> memref<80xi32, #tpu.memory_space<vmem>>
      %dma_wait3A_133 = tpu.memref_slice %arg3[%mul3A_27] : memref<160000xi32, #tpu.memory_space<hbm>> -> memref<80xi32, #tpu.memory_space<hbm>>
      %dma_wait3A_134 = arith.constant 0 : i32
      %dma_wait3A_135 = tpu.memref_slice %arg11[%run_scoped3A_28, %dma_wait3A_134] : memref<3x80xi32, #tpu.memory_space<vmem>> -> memref<1x80xi32, #tpu.memory_space<vmem>>
      %dma_wait3A_136 = tpu.memref_squeeze %dma_wait3A_135 : memref<1x80xi32, #tpu.memory_space<vmem>> -> memref<80xi32, #tpu.memory_space<vmem>>
      %dma_wait3A_137 = tpu.memref_slice %arg3[%mul3A_27] : memref<160000xi32, #tpu.memory_space<hbm>> -> memref<80xi32, #tpu.memory_space<hbm>>
      tpu.wait_dma2 semaphore(%run_scoped3A_121 : memref<!tpu.dma_semaphore, #tpu.memory_space<semaphore_mem>>) src(%dma_wait3A_137 : memref<80xi32, #tpu.memory_space<hbm>>) dst(%dma_wait3A_136 : memref<80xi32, #tpu.memory_space<vmem>>)
      tpu.yield
    }) : () -> ()
    %dma_start3A = arith.constant 0 : i32
    %dma_start3A_29 = arith.constant 0 : i32
    %dma_start3A_30 = arith.constant 0 : i32
    %dma_start3A_31 = arith.constant 0 : i32
    %dma_start3A_32 = tpu.memref_slice %arg15[%dma_start3A_29, %dma_start3A_30, %dma_start3A_31] : memref<2x80x128xf32, #tpu.memory_space<vmem>> -> memref<1x80x128xf32, #tpu.memory_space<vmem>>
    %dma_start3A_33 = tpu.memref_squeeze %dma_start3A_32 : memref<1x80x128xf32, #tpu.memory_space<vmem>> -> memref<80x128xf32, #tpu.memory_space<vmem>>
    %dma_start3A_34 = arith.constant 0 : i32
    %dma_start3A_35 = tpu.memref_slice %arg10[%dma_start3A, %dma_start3A_34] : memref<3x80xi32, #tpu.memory_space<vmem>> -> memref<1x80xi32, #tpu.memory_space<vmem>>
    %dma_start3A_36 = tpu.memref_squeeze %dma_start3A_35 : memref<1x80xi32, #tpu.memory_space<vmem>> -> memref<80xi32, #tpu.memory_space<vmem>>
    %dma_start3A_37 = arith.constant 0 : i32
    %dma_start3A_38 = arith.constant 0 : i32
    %dma_start3A_39 = tpu.memref_slice %arg5[%arg0, %dma_start3A_37, %dma_start3A_38] : memref<2x10000x128xf32, #tpu.memory_space<hbm>> -> memref<1x10000x128xf32, #tpu.memory_space<hbm>>
    %dma_start3A_40 = tpu.memref_squeeze %dma_start3A_39 : memref<1x10000x128xf32, #tpu.memory_space<hbm>> -> memref<10000x128xf32, #tpu.memory_space<hbm>>
    %dma_start3A_41 = arith.constant 0 : i32
    %dma_start3A_42 = arith.constant 0 : i32
    %dma_start3A_43 = tpu.memref_slice %dma_start3A_40[%dma_start3A_41, %dma_start3A_42] : memref<10000x128xf32, #tpu.memory_space<hbm>> -> memref<10000x128xf32, #tpu.memory_space<hbm>>
    tpu.enqueue_indirect_dma source(%dma_start3A_43 : memref<10000x128xf32, #tpu.memory_space<hbm>>) target(%dma_start3A_33 : memref<80x128xf32, #tpu.memory_space<vmem>>) offsets(%dma_start3A_36 : memref<80xi32, #tpu.memory_space<vmem>>) semaphore(%arg20 : memref<!tpu.dma_semaphore, #tpu.memory_space<semaphore_mem>>)
    %dma_start3A_44 = arith.constant 0 : i32
    %dma_start3A_45 = arith.constant 0 : i32
    %dma_start3A_46 = arith.constant 0 : i32
    %dma_start3A_47 = tpu.memref_slice %arg12[%dma_start3A_45, %dma_start3A_46] : memref<2x80xi32, #tpu.memory_space<vmem>> -> memref<1x80xi32, #tpu.memory_space<vmem>>
    %dma_start3A_48 = tpu.memref_squeeze %dma_start3A_47 : memref<1x80xi32, #tpu.memory_space<vmem>> -> memref<80xi32, #tpu.memory_space<vmem>>
    %dma_start3A_49 = arith.constant 0 : i32
    %dma_start3A_50 = tpu.memref_slice %arg10[%dma_start3A_44, %dma_start3A_49] : memref<3x80xi32, #tpu.memory_space<vmem>> -> memref<1x80xi32, #tpu.memory_space<vmem>>
    %dma_start3A_51 = tpu.memref_squeeze %dma_start3A_50 : memref<1x80xi32, #tpu.memory_space<vmem>> -> memref<80xi32, #tpu.memory_space<vmem>>
    %dma_start3A_52 = arith.constant 0 : i32
    %dma_start3A_53 = tpu.memref_slice %arg4[%dma_start3A_52] : memref<10000xi32, #tpu.memory_space<hbm>> -> memref<10000xi32, #tpu.memory_space<hbm>>
    tpu.enqueue_indirect_dma source(%dma_start3A_53 : memref<10000xi32, #tpu.memory_space<hbm>>) target(%dma_start3A_48 : memref<80xi32, #tpu.memory_space<vmem>>) offsets(%dma_start3A_51 : memref<80xi32, #tpu.memory_space<vmem>>) semaphore(%arg21 : memref<!tpu.dma_semaphore, #tpu.memory_space<semaphore_mem>>)
    %add3A = arith.constant 80 : i32
    %add3A_54 = arith.addi %mul3A_27, %add3A : i32
    %dma_start3A_55 = arith.constant 1 : i32
    %dma_start3A_56 = arith.constant 0 : i32
    %dma_start3A_57 = tpu.memref_slice %arg10[%dma_start3A_55, %dma_start3A_56] : memref<3x80xi32, #tpu.memory_space<vmem>> -> memref<1x80xi32, #tpu.memory_space<vmem>>
    %dma_start3A_58 = tpu.memref_squeeze %dma_start3A_57 : memref<1x80xi32, #tpu.memory_space<vmem>> -> memref<80xi32, #tpu.memory_space<vmem>>
    %dma_start3A_59 = tpu.memref_slice %arg2[%add3A_54] : memref<160000xi32, #tpu.memory_space<hbm>> -> memref<80xi32, #tpu.memory_space<hbm>>
    %dma_start3A_60 = arith.constant 0 : i32
    %dma_start3A_61 = tpu.memref_slice %arg10[%dma_start3A_55, %dma_start3A_60] : memref<3x80xi32, #tpu.memory_space<vmem>> -> memref<1x80xi32, #tpu.memory_space<vmem>>
    %dma_start3A_62 = tpu.memref_squeeze %dma_start3A_61 : memref<1x80xi32, #tpu.memory_space<vmem>> -> memref<80xi32, #tpu.memory_space<vmem>>
    %dma_start3A_63 = tpu.memref_slice %arg2[%add3A_54] : memref<160000xi32, #tpu.memory_space<hbm>> -> memref<80xi32, #tpu.memory_space<hbm>>
    tpu.enqueue_dma source(%dma_start3A_63 : memref<80xi32, #tpu.memory_space<hbm>>) target(%dma_start3A_62 : memref<80xi32, #tpu.memory_space<vmem>>) target_semaphore(%arg18 : memref<!tpu.dma_semaphore, #tpu.memory_space<semaphore_mem>>)
    %add3A_64 = arith.constant 80 : i32
    %add3A_65 = arith.addi %mul3A_27, %add3A_64 : i32
    %dma_start3A_66 = arith.constant 1 : i32
    %dma_start3A_67 = arith.constant 0 : i32
    %dma_start3A_68 = tpu.memref_slice %arg11[%dma_start3A_66, %dma_start3A_67] : memref<3x80xi32, #tpu.memory_space<vmem>> -> memref<1x80xi32, #tpu.memory_space<vmem>>
    %dma_start3A_69 = tpu.memref_squeeze %dma_start3A_68 : memref<1x80xi32, #tpu.memory_space<vmem>> -> memref<80xi32, #tpu.memory_space<vmem>>
    %dma_start3A_70 = tpu.memref_slice %arg3[%add3A_65] : memref<160000xi32, #tpu.memory_space<hbm>> -> memref<80xi32, #tpu.memory_space<hbm>>
    %dma_start3A_71 = arith.constant 0 : i32
    %dma_start3A_72 = tpu.memref_slice %arg11[%dma_start3A_66, %dma_start3A_71] : memref<3x80xi32, #tpu.memory_space<vmem>> -> memref<1x80xi32, #tpu.memory_space<vmem>>
    %dma_start3A_73 = tpu.memref_squeeze %dma_start3A_72 : memref<1x80xi32, #tpu.memory_space<vmem>> -> memref<80xi32, #tpu.memory_space<vmem>>
    %dma_start3A_74 = tpu.memref_slice %arg3[%add3A_65] : memref<160000xi32, #tpu.memory_space<hbm>> -> memref<80xi32, #tpu.memory_space<hbm>>
    tpu.enqueue_dma source(%dma_start3A_74 : memref<80xi32, #tpu.memory_space<hbm>>) target(%dma_start3A_73 : memref<80xi32, #tpu.memory_space<vmem>>) target_semaphore(%arg19 : memref<!tpu.dma_semaphore, #tpu.memory_space<semaphore_mem>>)
    %scan3A = arith.constant 0 : i32
    %scan3A_75 = arith.constant 0 : i32
    %scan3A_76 = arith.constant 125 : i32
    %scan3A_77 = arith.addi %scan3A_75, %scan3A_76 : i32
    %scan3A_78 = arith.constant 1 : i32
    scf.for %scan3A_121 = %scan3A_75 to %scan3A_77 step %scan3A_78  : i32 {
      %rem3A_122 = arith.constant 2 : i32
      %rem3A_123 = arith.remsi %scan3A_121, %rem3A_122 : i32
      %add3A_124 = arith.constant 1 : i32
      %add3A_125 = arith.addi %scan3A_121, %add3A_124 : i32
      %rem3A_126 = arith.constant 2 : i32
      %rem3A_127 = arith.remsi %add3A_125, %rem3A_126 : i32
      %rem3A_128 = arith.constant 3 : i32
      %rem3A_129 = arith.remsi %scan3A_121, %rem3A_128 : i32
      %add3A_130 = arith.constant 1 : i32
      %add3A_131 = arith.addi %scan3A_121, %add3A_130 : i32
      %rem3A_132 = arith.constant 3 : i32
      %rem3A_133 = arith.remsi %add3A_131, %rem3A_132 : i32
      %add3A_134 = arith.constant 2 : i32
      %add3A_135 = arith.addi %scan3A_121, %add3A_134 : i32
      %rem3A_136 = arith.constant 3 : i32
      %rem3A_137 = arith.remsi %add3A_135, %rem3A_136 : i32
      %add3A_138 = arith.constant 1 : i32
      %add3A_139 = arith.addi %scan3A_121, %add3A_138 : i32
      %lt3A = arith.constant 125 : i32
      %lt3A_140 = arith.cmpi slt, %add3A_139, %lt3A : i32
      %convert_element_type3A_141 = arith.extui %lt3A_140 : i1 to i32
      %cond3A_142 = arith.constant 0 : i32
      %cond3A_143 = arith.cmpi ne, %convert_element_type3A_141, %cond3A_142 : i32
      scf.if %cond3A_143 {
        %dma_wait3A_325 = arith.constant 0 : i32
        %dma_wait3A_326 = tpu.memref_slice %arg10[%rem3A_133, %dma_wait3A_325] : memref<3x80xi32, #tpu.memory_space<vmem>> -> memref<1x80xi32, #tpu.memory_space<vmem>>
        %dma_wait3A_327 = tpu.memref_squeeze %dma_wait3A_326 : memref<1x80xi32, #tpu.memory_space<vmem>> -> memref<80xi32, #tpu.memory_space<vmem>>
        %dma_wait3A_328 = tpu.memref_slice %arg2[%mul3A_27] : memref<160000xi32, #tpu.memory_space<hbm>> -> memref<80xi32, #tpu.memory_space<hbm>>
        %dma_wait3A_329 = arith.constant 0 : i32
        %dma_wait3A_330 = tpu.memref_slice %arg10[%rem3A_133, %dma_wait3A_329] : memref<3x80xi32, #tpu.memory_space<vmem>> -> memref<1x80xi32, #tpu.memory_space<vmem>>
        %dma_wait3A_331 = tpu.memref_squeeze %dma_wait3A_330 : memref<1x80xi32, #tpu.memory_space<vmem>> -> memref<80xi32, #tpu.memory_space<vmem>>
        %dma_wait3A_332 = tpu.memref_slice %arg2[%mul3A_27] : memref<160000xi32, #tpu.memory_space<hbm>> -> memref<80xi32, #tpu.memory_space<hbm>>
        tpu.wait_dma2 semaphore(%arg18 : memref<!tpu.dma_semaphore, #tpu.memory_space<semaphore_mem>>) src(%dma_wait3A_332 : memref<80xi32, #tpu.memory_space<hbm>>) dst(%dma_wait3A_331 : memref<80xi32, #tpu.memory_space<vmem>>)
        %dma_wait3A_333 = arith.constant 0 : i32
        %dma_wait3A_334 = tpu.memref_slice %arg11[%rem3A_133, %dma_wait3A_333] : memref<3x80xi32, #tpu.memory_space<vmem>> -> memref<1x80xi32, #tpu.memory_space<vmem>>
        %dma_wait3A_335 = tpu.memref_squeeze %dma_wait3A_334 : memref<1x80xi32, #tpu.memory_space<vmem>> -> memref<80xi32, #tpu.memory_space<vmem>>
        %dma_wait3A_336 = tpu.memref_slice %arg3[%mul3A_27] : memref<160000xi32, #tpu.memory_space<hbm>> -> memref<80xi32, #tpu.memory_space<hbm>>
        %dma_wait3A_337 = arith.constant 0 : i32
        %dma_wait3A_338 = tpu.memref_slice %arg11[%rem3A_133, %dma_wait3A_337] : memref<3x80xi32, #tpu.memory_space<vmem>> -> memref<1x80xi32, #tpu.memory_space<vmem>>
        %dma_wait3A_339 = tpu.memref_squeeze %dma_wait3A_338 : memref<1x80xi32, #tpu.memory_space<vmem>> -> memref<80xi32, #tpu.memory_space<vmem>>
        %dma_wait3A_340 = tpu.memref_slice %arg3[%mul3A_27] : memref<160000xi32, #tpu.memory_space<hbm>> -> memref<80xi32, #tpu.memory_space<hbm>>
        tpu.wait_dma2 semaphore(%arg19 : memref<!tpu.dma_semaphore, #tpu.memory_space<semaphore_mem>>) src(%dma_wait3A_340 : memref<80xi32, #tpu.memory_space<hbm>>) dst(%dma_wait3A_339 : memref<80xi32, #tpu.memory_space<vmem>>)
      } else {
      }
      %ge3A = arith.constant 1 : i32
      %ge3A_144 = arith.cmpi sge, %scan3A_121, %ge3A : i32
      %convert_element_type3A_145 = arith.extui %ge3A_144 : i1 to i32
      %cond3A_146 = arith.constant 0 : i32
      %cond3A_147 = arith.cmpi ne, %convert_element_type3A_145, %cond3A_146 : i32
      scf.if %cond3A_147 {
        %add3A_325 = arith.constant 2 : i32
        %add3A_326 = arith.addi %scan3A_121, %add3A_325 : i32
        %rem3A_327 = arith.constant 3 : i32
        %rem3A_328 = arith.remsi %add3A_326, %rem3A_327 : i32
        %dma_wait3A_329 = arith.constant 0 : i32
        %dma_wait3A_330 = arith.constant 0 : i32
        %dma_wait3A_331 = tpu.memref_slice %arg15[%rem3A_127, %dma_wait3A_329, %dma_wait3A_330] : memref<2x80x128xf32, #tpu.memory_space<vmem>> -> memref<1x80x128xf32, #tpu.memory_space<vmem>>
        %dma_wait3A_332 = tpu.memref_squeeze %dma_wait3A_331 : memref<1x80x128xf32, #tpu.memory_space<vmem>> -> memref<80x128xf32, #tpu.memory_space<vmem>>
        %dma_wait3A_333 = arith.constant 0 : i32
        %dma_wait3A_334 = tpu.memref_slice %arg11[%rem3A_328, %dma_wait3A_333] : memref<3x80xi32, #tpu.memory_space<vmem>> -> memref<1x80xi32, #tpu.memory_space<vmem>>
        %dma_wait3A_335 = tpu.memref_squeeze %dma_wait3A_334 : memref<1x80xi32, #tpu.memory_space<vmem>> -> memref<80xi32, #tpu.memory_space<vmem>>
        %dma_wait3A_336 = arith.constant 0 : i32
        %dma_wait3A_337 = arith.constant 0 : i32
        %dma_wait3A_338 = tpu.memref_slice %arg16[%dma_wait3A_336, %dma_wait3A_337] : memref<10000x128xf32, #tpu.memory_space<vmem_shared>> -> memref<10000x128xf32, #tpu.memory_space<vmem_shared>>
        tpu.wait_indirect_dma semaphore(%arg22 : memref<!tpu.dma_semaphore, #tpu.memory_space<semaphore_mem>>) src(%dma_wait3A_332 : memref<80x128xf32, #tpu.memory_space<vmem>>) dst(%dma_wait3A_338 : memref<10000x128xf32, #tpu.memory_space<vmem_shared>>)
      } else {
      }
      %add3A_148 = arith.constant 1 : i32
      %add3A_149 = arith.addi %scan3A_121, %add3A_148 : i32
      %lt3A_150 = arith.constant 125 : i32
      %lt3A_151 = arith.cmpi slt, %add3A_149, %lt3A_150 : i32
      %convert_element_type3A_152 = arith.extui %lt3A_151 : i1 to i32
      %cond3A_153 = arith.constant 0 : i32
      %cond3A_154 = arith.cmpi ne, %convert_element_type3A_152, %cond3A_153 : i32
      scf.if %cond3A_154 {
        %dma_start3A_325 = arith.constant 0 : i32
        %dma_start3A_326 = arith.constant 0 : i32
        %dma_start3A_327 = tpu.memref_slice %arg15[%rem3A_127, %dma_start3A_325, %dma_start3A_326] : memref<2x80x128xf32, #tpu.memory_space<vmem>> -> memref<1x80x128xf32, #tpu.memory_space<vmem>>
        %dma_start3A_328 = tpu.memref_squeeze %dma_start3A_327 : memref<1x80x128xf32, #tpu.memory_space<vmem>> -> memref<80x128xf32, #tpu.memory_space<vmem>>
        %dma_start3A_329 = arith.constant 0 : i32
        %dma_start3A_330 = tpu.memref_slice %arg10[%rem3A_133, %dma_start3A_329] : memref<3x80xi32, #tpu.memory_space<vmem>> -> memref<1x80xi32, #tpu.memory_space<vmem>>
        %dma_start3A_331 = tpu.memref_squeeze %dma_start3A_330 : memref<1x80xi32, #tpu.memory_space<vmem>> -> memref<80xi32, #tpu.memory_space<vmem>>
        %dma_start3A_332 = arith.constant 0 : i32
        %dma_start3A_333 = arith.constant 0 : i32
        %dma_start3A_334 = tpu.memref_slice %arg5[%arg0, %dma_start3A_332, %dma_start3A_333] : memref<2x10000x128xf32, #tpu.memory_space<hbm>> -> memref<1x10000x128xf32, #tpu.memory_space<hbm>>
        %dma_start3A_335 = tpu.memref_squeeze %dma_start3A_334 : memref<1x10000x128xf32, #tpu.memory_space<hbm>> -> memref<10000x128xf32, #tpu.memory_space<hbm>>
        %dma_start3A_336 = arith.constant 0 : i32
        %dma_start3A_337 = arith.constant 0 : i32
        %dma_start3A_338 = tpu.memref_slice %dma_start3A_335[%dma_start3A_336, %dma_start3A_337] : memref<10000x128xf32, #tpu.memory_space<hbm>> -> memref<10000x128xf32, #tpu.memory_space<hbm>>
        tpu.enqueue_indirect_dma source(%dma_start3A_338 : memref<10000x128xf32, #tpu.memory_space<hbm>>) target(%dma_start3A_328 : memref<80x128xf32, #tpu.memory_space<vmem>>) offsets(%dma_start3A_331 : memref<80xi32, #tpu.memory_space<vmem>>) semaphore(%arg20 : memref<!tpu.dma_semaphore, #tpu.memory_space<semaphore_mem>>)
        %dma_start3A_339 = arith.constant 0 : i32
        %dma_start3A_340 = tpu.memref_slice %arg12[%rem3A_127, %dma_start3A_339] : memref<2x80xi32, #tpu.memory_space<vmem>> -> memref<1x80xi32, #tpu.memory_space<vmem>>
        %dma_start3A_341 = tpu.memref_squeeze %dma_start3A_340 : memref<1x80xi32, #tpu.memory_space<vmem>> -> memref<80xi32, #tpu.memory_space<vmem>>
        %dma_start3A_342 = arith.constant 0 : i32
        %dma_start3A_343 = tpu.memref_slice %arg10[%rem3A_133, %dma_start3A_342] : memref<3x80xi32, #tpu.memory_space<vmem>> -> memref<1x80xi32, #tpu.memory_space<vmem>>
        %dma_start3A_344 = tpu.memref_squeeze %dma_start3A_343 : memref<1x80xi32, #tpu.memory_space<vmem>> -> memref<80xi32, #tpu.memory_space<vmem>>
        %dma_start3A_345 = arith.constant 0 : i32
        %dma_start3A_346 = tpu.memref_slice %arg4[%dma_start3A_345] : memref<10000xi32, #tpu.memory_space<hbm>> -> memref<10000xi32, #tpu.memory_space<hbm>>
        tpu.enqueue_indirect_dma source(%dma_start3A_346 : memref<10000xi32, #tpu.memory_space<hbm>>) target(%dma_start3A_341 : memref<80xi32, #tpu.memory_space<vmem>>) offsets(%dma_start3A_344 : memref<80xi32, #tpu.memory_space<vmem>>) semaphore(%arg21 : memref<!tpu.dma_semaphore, #tpu.memory_space<semaphore_mem>>)
      } else {
      }
      %add3A_155 = arith.constant 2 : i32
      %add3A_156 = arith.addi %scan3A_121, %add3A_155 : i32
      %lt3A_157 = arith.constant 125 : i32
      %lt3A_158 = arith.cmpi slt, %add3A_156, %lt3A_157 : i32
      %convert_element_type3A_159 = arith.extui %lt3A_158 : i1 to i32
      %cond3A_160 = arith.constant 0 : i32
      %cond3A_161 = arith.cmpi ne, %convert_element_type3A_159, %cond3A_160 : i32
      scf.if %cond3A_161 {
        %add3A_325 = arith.constant 2 : i32
        %add3A_326 = arith.addi %scan3A_121, %add3A_325 : i32
        %mul3A_327 = arith.constant 80 : i32
        %mul3A_328 = arith.muli %add3A_326, %mul3A_327 : i32
        %add3A_329 = arith.addi %mul3A_27, %mul3A_328 : i32
        %dma_start3A_330 = arith.constant 0 : i32
        %dma_start3A_331 = tpu.memref_slice %arg10[%rem3A_137, %dma_start3A_330] : memref<3x80xi32, #tpu.memory_space<vmem>> -> memref<1x80xi32, #tpu.memory_space<vmem>>
        %dma_start3A_332 = tpu.memref_squeeze %dma_start3A_331 : memref<1x80xi32, #tpu.memory_space<vmem>> -> memref<80xi32, #tpu.memory_space<vmem>>
        %dma_start3A_333 = tpu.memref_slice %arg2[%add3A_329] : memref<160000xi32, #tpu.memory_space<hbm>> -> memref<80xi32, #tpu.memory_space<hbm>>
        %dma_start3A_334 = arith.constant 0 : i32
        %dma_start3A_335 = tpu.memref_slice %arg10[%rem3A_137, %dma_start3A_334] : memref<3x80xi32, #tpu.memory_space<vmem>> -> memref<1x80xi32, #tpu.memory_space<vmem>>
        %dma_start3A_336 = tpu.memref_squeeze %dma_start3A_335 : memref<1x80xi32, #tpu.memory_space<vmem>> -> memref<80xi32, #tpu.memory_space<vmem>>
        %dma_start3A_337 = tpu.memref_slice %arg2[%add3A_329] : memref<160000xi32, #tpu.memory_space<hbm>> -> memref<80xi32, #tpu.memory_space<hbm>>
        tpu.enqueue_dma source(%dma_start3A_337 : memref<80xi32, #tpu.memory_space<hbm>>) target(%dma_start3A_336 : memref<80xi32, #tpu.memory_space<vmem>>) target_semaphore(%arg18 : memref<!tpu.dma_semaphore, #tpu.memory_space<semaphore_mem>>)
        %mul3A_338 = arith.constant 80 : i32
        %mul3A_339 = arith.muli %add3A_326, %mul3A_338 : i32
        %add3A_340 = arith.addi %mul3A_27, %mul3A_339 : i32
        %dma_start3A_341 = arith.constant 0 : i32
        %dma_start3A_342 = tpu.memref_slice %arg11[%rem3A_137, %dma_start3A_341] : memref<3x80xi32, #tpu.memory_space<vmem>> -> memref<1x80xi32, #tpu.memory_space<vmem>>
        %dma_start3A_343 = tpu.memref_squeeze %dma_start3A_342 : memref<1x80xi32, #tpu.memory_space<vmem>> -> memref<80xi32, #tpu.memory_space<vmem>>
        %dma_start3A_344 = tpu.memref_slice %arg3[%add3A_340] : memref<160000xi32, #tpu.memory_space<hbm>> -> memref<80xi32, #tpu.memory_space<hbm>>
        %dma_start3A_345 = arith.constant 0 : i32
        %dma_start3A_346 = tpu.memref_slice %arg11[%rem3A_137, %dma_start3A_345] : memref<3x80xi32, #tpu.memory_space<vmem>> -> memref<1x80xi32, #tpu.memory_space<vmem>>
        %dma_start3A_347 = tpu.memref_squeeze %dma_start3A_346 : memref<1x80xi32, #tpu.memory_space<vmem>> -> memref<80xi32, #tpu.memory_space<vmem>>
        %dma_start3A_348 = tpu.memref_slice %arg3[%add3A_340] : memref<160000xi32, #tpu.memory_space<hbm>> -> memref<80xi32, #tpu.memory_space<hbm>>
        tpu.enqueue_dma source(%dma_start3A_348 : memref<80xi32, #tpu.memory_space<hbm>>) target(%dma_start3A_347 : memref<80xi32, #tpu.memory_space<vmem>>) target_semaphore(%arg19 : memref<!tpu.dma_semaphore, #tpu.memory_space<semaphore_mem>>)
      } else {
      }
      %dma_wait3A_162 = arith.constant 0 : i32
      %dma_wait3A_163 = arith.constant 0 : i32
      %dma_wait3A_164 = tpu.memref_slice %arg15[%rem3A_123, %dma_wait3A_162, %dma_wait3A_163] : memref<2x80x128xf32, #tpu.memory_space<vmem>> -> memref<1x80x128xf32, #tpu.memory_space<vmem>>
      %dma_wait3A_165 = tpu.memref_squeeze %dma_wait3A_164 : memref<1x80x128xf32, #tpu.memory_space<vmem>> -> memref<80x128xf32, #tpu.memory_space<vmem>>
      %dma_wait3A_166 = arith.constant 0 : i32
      %dma_wait3A_167 = tpu.memref_slice %arg10[%rem3A_129, %dma_wait3A_166] : memref<3x80xi32, #tpu.memory_space<vmem>> -> memref<1x80xi32, #tpu.memory_space<vmem>>
      %dma_wait3A_168 = tpu.memref_squeeze %dma_wait3A_167 : memref<1x80xi32, #tpu.memory_space<vmem>> -> memref<80xi32, #tpu.memory_space<vmem>>
      %dma_wait3A_169 = arith.constant 0 : i32
      %dma_wait3A_170 = arith.constant 0 : i32
      %dma_wait3A_171 = tpu.memref_slice %arg5[%arg0, %dma_wait3A_169, %dma_wait3A_170] : memref<2x10000x128xf32, #tpu.memory_space<hbm>> -> memref<1x10000x128xf32, #tpu.memory_space<hbm>>
      %dma_wait3A_172 = tpu.memref_squeeze %dma_wait3A_171 : memref<1x10000x128xf32, #tpu.memory_space<hbm>> -> memref<10000x128xf32, #tpu.memory_space<hbm>>
      %dma_wait3A_173 = arith.constant 0 : i32
      %dma_wait3A_174 = arith.constant 0 : i32
      %dma_wait3A_175 = tpu.memref_slice %dma_wait3A_172[%dma_wait3A_173, %dma_wait3A_174] : memref<10000x128xf32, #tpu.memory_space<hbm>> -> memref<10000x128xf32, #tpu.memory_space<hbm>>
      tpu.wait_indirect_dma semaphore(%arg20 : memref<!tpu.dma_semaphore, #tpu.memory_space<semaphore_mem>>) src(%dma_wait3A_175 : memref<10000x128xf32, #tpu.memory_space<hbm>>) dst(%dma_wait3A_165 : memref<80x128xf32, #tpu.memory_space<vmem>>)
      %dma_start3A_176 = arith.constant 0 : i32
      %dma_start3A_177 = arith.constant 0 : i32
      %dma_start3A_178 = tpu.memref_slice %arg15[%rem3A_123, %dma_start3A_176, %dma_start3A_177] : memref<2x80x128xf32, #tpu.memory_space<vmem>> -> memref<1x80x128xf32, #tpu.memory_space<vmem>>
      %dma_start3A_179 = tpu.memref_squeeze %dma_start3A_178 : memref<1x80x128xf32, #tpu.memory_space<vmem>> -> memref<80x128xf32, #tpu.memory_space<vmem>>
      %dma_start3A_180 = arith.constant 0 : i32
      %dma_start3A_181 = tpu.memref_slice %arg11[%rem3A_129, %dma_start3A_180] : memref<3x80xi32, #tpu.memory_space<vmem>> -> memref<1x80xi32, #tpu.memory_space<vmem>>
      %dma_start3A_182 = tpu.memref_squeeze %dma_start3A_181 : memref<1x80xi32, #tpu.memory_space<vmem>> -> memref<80xi32, #tpu.memory_space<vmem>>
      %dma_start3A_183 = arith.constant 0 : i32
      %dma_start3A_184 = arith.constant 0 : i32
      %dma_start3A_185 = tpu.memref_slice %arg16[%dma_start3A_183, %dma_start3A_184] : memref<10000x128xf32, #tpu.memory_space<vmem_shared>> -> memref<10000x128xf32, #tpu.memory_space<vmem_shared>>
      tpu.enqueue_indirect_dma source(%dma_start3A_179 : memref<80x128xf32, #tpu.memory_space<vmem>>) target(%dma_start3A_185 : memref<10000x128xf32, #tpu.memory_space<vmem_shared>>) offsets(%dma_start3A_182 : memref<80xi32, #tpu.memory_space<vmem>>) semaphore(%arg22 : memref<!tpu.dma_semaphore, #tpu.memory_space<semaphore_mem>>) {add = true}
      %dma_wait3A_186 = arith.constant 0 : i32
      %dma_wait3A_187 = tpu.memref_slice %arg12[%rem3A_123, %dma_wait3A_186] : memref<2x80xi32, #tpu.memory_space<vmem>> -> memref<1x80xi32, #tpu.memory_space<vmem>>
      %dma_wait3A_188 = tpu.memref_squeeze %dma_wait3A_187 : memref<1x80xi32, #tpu.memory_space<vmem>> -> memref<80xi32, #tpu.memory_space<vmem>>
      %dma_wait3A_189 = arith.constant 0 : i32
      %dma_wait3A_190 = tpu.memref_slice %arg10[%rem3A_129, %dma_wait3A_189] : memref<3x80xi32, #tpu.memory_space<vmem>> -> memref<1x80xi32, #tpu.memory_space<vmem>>
      %dma_wait3A_191 = tpu.memref_squeeze %dma_wait3A_190 : memref<1x80xi32, #tpu.memory_space<vmem>> -> memref<80xi32, #tpu.memory_space<vmem>>
      %dma_wait3A_192 = arith.constant 0 : i32
      %dma_wait3A_193 = tpu.memref_slice %arg4[%dma_wait3A_192] : memref<10000xi32, #tpu.memory_space<hbm>> -> memref<10000xi32, #tpu.memory_space<hbm>>
      tpu.wait_indirect_dma semaphore(%arg21 : memref<!tpu.dma_semaphore, #tpu.memory_space<semaphore_mem>>) src(%dma_wait3A_193 : memref<10000xi32, #tpu.memory_space<hbm>>) dst(%dma_wait3A_188 : memref<80xi32, #tpu.memory_space<vmem>>)
      %ge3A_194 = arith.constant 2 : i32
      %ge3A_195 = arith.cmpi sge, %scan3A_121, %ge3A_194 : i32
      %convert_element_type3A_196 = arith.extui %ge3A_195 : i1 to i32
      %cond3A_197 = arith.constant 0 : i32
      %cond3A_198 = arith.cmpi ne, %convert_element_type3A_196, %cond3A_197 : i32
      scf.if %cond3A_198 {
        %dma_wait3A_325 = arith.constant 0 : i32
        %dma_wait3A_326 = tpu.memref_slice %arg13[%rem3A_123, %dma_wait3A_325] : memref<2x80xi32, #tpu.memory_space<vmem>> -> memref<1x80xi32, #tpu.memory_space<vmem>>
        %dma_wait3A_327 = tpu.memref_squeeze %dma_wait3A_326 : memref<1x80xi32, #tpu.memory_space<vmem>> -> memref<80xi32, #tpu.memory_space<vmem>>
        %dma_wait3A_328 = arith.constant 0 : i32
        %dma_wait3A_329 = tpu.memref_slice %arg17[%dma_wait3A_328] : memref<320008xf32, #tpu.memory_space<vmem_shared>> -> memref<320008xf32, #tpu.memory_space<vmem_shared>>
        tpu.wait_indirect_dma semaphore(%arg23 : memref<!tpu.dma_semaphore, #tpu.memory_space<semaphore_mem>>) src(%arg14 : memref<80xf32, #tpu.memory_space<vmem>>) dst(%dma_wait3A_329 : memref<320008xf32, #tpu.memory_space<vmem_shared>>)
      } else {
      }
      %get3A = arith.index_cast %rem3A_129 : i32 to index
      %get3A_199 = arith.constant 0 : index
      %get3A_200 = tpu.vector_load %arg11[%get3A, %get3A_199] {strides = array<i32>} : memref<3x80xi32, #tpu.memory_space<vmem>>, vector<16xi32>,
      %get3A_201 = arith.index_cast %rem3A_123 : i32 to index
      %get3A_202 = arith.constant 0 : index
      %get3A_203 = tpu.vector_load %arg12[%get3A_201, %get3A_202] {strides = array<i32>} : memref<2x80xi32, #tpu.memory_space<vmem>>, vector<16xi32>,
      %sub3A = vector.broadcast %mul3A_25 : i32 to vector<16xi32>
      %sub3A_204 = arith.subi %get3A_200, %sub3A : vector<16xi32>
      %mul3A_205 = arith.constant 64 : i32
      %mul3A_206 = vector.broadcast %mul3A_205 : i32 to vector<16xi32>
      %mul3A_207 = arith.muli %sub3A_204, %mul3A_206 : vector<16xi32>
      %add3A_208 = arith.addi %mul3A_207, %get3A_203 : vector<16xi32>
      %ge3A_209 = vector.broadcast %mul3A_25 : i32 to vector<16xi32>
      %ge3A_210 = arith.cmpi sge, %get3A_200, %ge3A_209 : vector<16xi32>
      %add3A_211 = arith.constant 5000 : i32
      %add3A_212 = arith.addi %mul3A_25, %add3A_211 : i32
      %lt3A_213 = vector.broadcast %add3A_212 : i32 to vector<16xi32>
      %lt3A_214 = arith.cmpi slt, %get3A_200, %lt3A_213 : vector<16xi32>
      %and3A = arith.andi %ge3A_210, %lt3A_214 : vector<16xi1>
      %broadcast_in_dim3A_215 = arith.constant 320000 : i32
      %broadcast_in_dim3A_216 = vector.broadcast %broadcast_in_dim3A_215 : i32 to vector<16xi32>
      %select_n3A = arith.select %and3A, %add3A_208, %broadcast_in_dim3A_216 : vector<16xi1>, vector<16xi32>
      %swap3A_217 = arith.index_cast %rem3A_123 : i32 to index
      %swap3A_218 = arith.constant 0 : index
      %swap3A_219 = tpu.vector_load %arg13[%swap3A_217, %swap3A_218] {strides = array<i32>} : memref<2x80xi32, #tpu.memory_space<vmem>>, vector<16xi32>,
      tpu.vector_store %arg13[%swap3A_217, %swap3A_218], %select_n3A {strides = array<i32>} : memref<2x80xi32, #tpu.memory_space<vmem>>, vector<16xi32>,
      %get3A_220 = arith.index_cast %rem3A_129 : i32 to index
      %get3A_221 = arith.constant 16 : index
      %get3A_222 = tpu.vector_load %arg11[%get3A_220, %get3A_221] {strides = array<i32>} : memref<3x80xi32, #tpu.memory_space<vmem>>, vector<16xi32>,
      %get3A_223 = arith.index_cast %rem3A_123 : i32 to index
      %get3A_224 = arith.constant 16 : index
      %get3A_225 = tpu.vector_load %arg12[%get3A_223, %get3A_224] {strides = array<i32>} : memref<2x80xi32, #tpu.memory_space<vmem>>, vector<16xi32>,
      %sub3A_226 = vector.broadcast %mul3A_25 : i32 to vector<16xi32>
      %sub3A_227 = arith.subi %get3A_222, %sub3A_226 : vector<16xi32>
      %mul3A_228 = arith.constant 64 : i32
      %mul3A_229 = vector.broadcast %mul3A_228 : i32 to vector<16xi32>
      %mul3A_230 = arith.muli %sub3A_227, %mul3A_229 : vector<16xi32>
      %add3A_231 = arith.addi %mul3A_230, %get3A_225 : vector<16xi32>
      %ge3A_232 = vector.broadcast %mul3A_25 : i32 to vector<16xi32>
      %ge3A_233 = arith.cmpi sge, %get3A_222, %ge3A_232 : vector<16xi32>
      %add3A_234 = arith.constant 5000 : i32
      %add3A_235 = arith.addi %mul3A_25, %add3A_234 : i32
      %lt3A_236 = vector.broadcast %add3A_235 : i32 to vector<16xi32>
      %lt3A_237 = arith.cmpi slt, %get3A_222, %lt3A_236 : vector<16xi32>
      %and3A_238 = arith.andi %ge3A_233, %lt3A_237 : vector<16xi1>
      %broadcast_in_dim3A_239 = arith.constant 320000 : i32
      %broadcast_in_dim3A_240 = vector.broadcast %broadcast_in_dim3A_239 : i32 to vector<16xi32>
      %select_n3A_241 = arith.select %and3A_238, %add3A_231, %broadcast_in_dim3A_240 : vector<16xi1>, vector<16xi32>
      %swap3A_242 = arith.index_cast %rem3A_123 : i32 to index
      %swap3A_243 = arith.constant 16 : index
      %swap3A_244 = tpu.vector_load %arg13[%swap3A_242, %swap3A_243] {strides = array<i32>} : memref<2x80xi32, #tpu.memory_space<vmem>>, vector<16xi32>,
      tpu.vector_store %arg13[%swap3A_242, %swap3A_243], %select_n3A_241 {strides = array<i32>} : memref<2x80xi32, #tpu.memory_space<vmem>>, vector<16xi32>,
      %get3A_245 = arith.index_cast %rem3A_129 : i32 to index
      %get3A_246 = arith.constant 32 : index
      %get3A_247 = tpu.vector_load %arg11[%get3A_245, %get3A_246] {strides = array<i32>} : memref<3x80xi32, #tpu.memory_space<vmem>>, vector<16xi32>,
      %get3A_248 = arith.index_cast %rem3A_123 : i32 to index
      %get3A_249 = arith.constant 32 : index
      %get3A_250 = tpu.vector_load %arg12[%get3A_248, %get3A_249] {strides = array<i32>} : memref<2x80xi32, #tpu.memory_space<vmem>>, vector<16xi32>,
      %sub3A_251 = vector.broadcast %mul3A_25 : i32 to vector<16xi32>
      %sub3A_252 = arith.subi %get3A_247, %sub3A_251 : vector<16xi32>
      %mul3A_253 = arith.constant 64 : i32
      %mul3A_254 = vector.broadcast %mul3A_253 : i32 to vector<16xi32>
      %mul3A_255 = arith.muli %sub3A_252, %mul3A_254 : vector<16xi32>
      %add3A_256 = arith.addi %mul3A_255, %get3A_250 : vector<16xi32>
      %ge3A_257 = vector.broadcast %mul3A_25 : i32 to vector<16xi32>
      %ge3A_258 = arith.cmpi sge, %get3A_247, %ge3A_257 : vector<16xi32>
      %add3A_259 = arith.constant 5000 : i32
      %add3A_260 = arith.addi %mul3A_25, %add3A_259 : i32
      %lt3A_261 = vector.broadcast %add3A_260 : i32 to vector<16xi32>
      %lt3A_262 = arith.cmpi slt, %get3A_247, %lt3A_261 : vector<16xi32>
      %and3A_263 = arith.andi %ge3A_258, %lt3A_262 : vector<16xi1>
      %broadcast_in_dim3A_264 = arith.constant 320000 : i32
      %broadcast_in_dim3A_265 = vector.broadcast %broadcast_in_dim3A_264 : i32 to vector<16xi32>
      %select_n3A_266 = arith.select %and3A_263, %add3A_256, %broadcast_in_dim3A_265 : vector<16xi1>, vector<16xi32>
      %swap3A_267 = arith.index_cast %rem3A_123 : i32 to index
      %swap3A_268 = arith.constant 32 : index
      %swap3A_269 = tpu.vector_load %arg13[%swap3A_267, %swap3A_268] {strides = array<i32>} : memref<2x80xi32, #tpu.memory_space<vmem>>, vector<16xi32>,
      tpu.vector_store %arg13[%swap3A_267, %swap3A_268], %select_n3A_266 {strides = array<i32>} : memref<2x80xi32, #tpu.memory_space<vmem>>, vector<16xi32>,
      %get3A_270 = arith.index_cast %rem3A_129 : i32 to index
      %get3A_271 = arith.constant 48 : index
      %get3A_272 = tpu.vector_load %arg11[%get3A_270, %get3A_271] {strides = array<i32>} : memref<3x80xi32, #tpu.memory_space<vmem>>, vector<16xi32>,
      %get3A_273 = arith.index_cast %rem3A_123 : i32 to index
      %get3A_274 = arith.constant 48 : index
      %get3A_275 = tpu.vector_load %arg12[%get3A_273, %get3A_274] {strides = array<i32>} : memref<2x80xi32, #tpu.memory_space<vmem>>, vector<16xi32>,
      %sub3A_276 = vector.broadcast %mul3A_25 : i32 to vector<16xi32>
      %sub3A_277 = arith.subi %get3A_272, %sub3A_276 : vector<16xi32>
      %mul3A_278 = arith.constant 64 : i32
      %mul3A_279 = vector.broadcast %mul3A_278 : i32 to vector<16xi32>
      %mul3A_280 = arith.muli %sub3A_277, %mul3A_279 : vector<16xi32>
      %add3A_281 = arith.addi %mul3A_280, %get3A_275 : vector<16xi32>
      %ge3A_282 = vector.broadcast %mul3A_25 : i32 to vector<16xi32>
      %ge3A_283 = arith.cmpi sge, %get3A_272, %ge3A_282 : vector<16xi32>
      %add3A_284 = arith.constant 5000 : i32
      %add3A_285 = arith.addi %mul3A_25, %add3A_284 : i32
      %lt3A_286 = vector.broadcast %add3A_285 : i32 to vector<16xi32>
      %lt3A_287 = arith.cmpi slt, %get3A_272, %lt3A_286 : vector<16xi32>
      %and3A_288 = arith.andi %ge3A_283, %lt3A_287 : vector<16xi1>
      %broadcast_in_dim3A_289 = arith.constant 320000 : i32
      %broadcast_in_dim3A_290 = vector.broadcast %broadcast_in_dim3A_289 : i32 to vector<16xi32>
      %select_n3A_291 = arith.select %and3A_288, %add3A_281, %broadcast_in_dim3A_290 : vector<16xi1>, vector<16xi32>
      %swap3A_292 = arith.index_cast %rem3A_123 : i32 to index
      %swap3A_293 = arith.constant 48 : index
      %swap3A_294 = tpu.vector_load %arg13[%swap3A_292, %swap3A_293] {strides = array<i32>} : memref<2x80xi32, #tpu.memory_space<vmem>>, vector<16xi32>,
      tpu.vector_store %arg13[%swap3A_292, %swap3A_293], %select_n3A_291 {strides = array<i32>} : memref<2x80xi32, #tpu.memory_space<vmem>>, vector<16xi32>,
      %get3A_295 = arith.index_cast %rem3A_129 : i32 to index
      %get3A_296 = arith.constant 64 : index
      %get3A_297 = tpu.vector_load %arg11[%get3A_295, %get3A_296] {strides = array<i32>} : memref<3x80xi32, #tpu.memory_space<vmem>>, vector<16xi32>,
      %get3A_298 = arith.index_cast %rem3A_123 : i32 to index
      %get3A_299 = arith.constant 64 : index
      %get3A_300 = tpu.vector_load %arg12[%get3A_298, %get3A_299] {strides = array<i32>} : memref<2x80xi32, #tpu.memory_space<vmem>>, vector<16xi32>,
      %sub3A_301 = vector.broadcast %mul3A_25 : i32 to vector<16xi32>
      %sub3A_302 = arith.subi %get3A_297, %sub3A_301 : vector<16xi32>
      %mul3A_303 = arith.constant 64 : i32
      %mul3A_304 = vector.broadcast %mul3A_303 : i32 to vector<16xi32>
      %mul3A_305 = arith.muli %sub3A_302, %mul3A_304 : vector<16xi32>
      %add3A_306 = arith.addi %mul3A_305, %get3A_300 : vector<16xi32>
      %ge3A_307 = vector.broadcast %mul3A_25 : i32 to vector<16xi32>
      %ge3A_308 = arith.cmpi sge, %get3A_297, %ge3A_307 : vector<16xi32>
      %add3A_309 = arith.constant 5000 : i32
      %add3A_310 = arith.addi %mul3A_25, %add3A_309 : i32
      %lt3A_311 = vector.broadcast %add3A_310 : i32 to vector<16xi32>
      %lt3A_312 = arith.cmpi slt, %get3A_297, %lt3A_311 : vector<16xi32>
      %and3A_313 = arith.andi %ge3A_308, %lt3A_312 : vector<16xi1>
      %broadcast_in_dim3A_314 = arith.constant 320000 : i32
      %broadcast_in_dim3A_315 = vector.broadcast %broadcast_in_dim3A_314 : i32 to vector<16xi32>
      %select_n3A_316 = arith.select %and3A_313, %add3A_306, %broadcast_in_dim3A_315 : vector<16xi1>, vector<16xi32>
      %swap3A_317 = arith.index_cast %rem3A_123 : i32 to index
      %swap3A_318 = arith.constant 64 : index
      %swap3A_319 = tpu.vector_load %arg13[%swap3A_317, %swap3A_318] {strides = array<i32>} : memref<2x80xi32, #tpu.memory_space<vmem>>, vector<16xi32>,
      tpu.vector_store %arg13[%swap3A_317, %swap3A_318], %select_n3A_316 {strides = array<i32>} : memref<2x80xi32, #tpu.memory_space<vmem>>, vector<16xi32>,
      %dma_start3A_320 = arith.constant 0 : i32
      %dma_start3A_321 = tpu.memref_slice %arg13[%rem3A_123, %dma_start3A_320] : memref<2x80xi32, #tpu.memory_space<vmem>> -> memref<1x80xi32, #tpu.memory_space<vmem>>
      %dma_start3A_322 = tpu.memref_squeeze %dma_start3A_321 : memref<1x80xi32, #tpu.memory_space<vmem>> -> memref<80xi32, #tpu.memory_space<vmem>>
      %dma_start3A_323 = arith.constant 0 : i32
      %dma_start3A_324 = tpu.memref_slice %arg17[%dma_start3A_323] : memref<320008xf32, #tpu.memory_space<vmem_shared>> -> memref<320008xf32, #tpu.memory_space<vmem_shared>>
      tpu.enqueue_indirect_dma source(%arg14 : memref<80xf32, #tpu.memory_space<vmem>>) target(%dma_start3A_324 : memref<320008xf32, #tpu.memory_space<vmem_shared>>) offsets(%dma_start3A_322 : memref<80xi32, #tpu.memory_space<vmem>>) semaphore(%arg23 : memref<!tpu.dma_semaphore, #tpu.memory_space<semaphore_mem>>) {add = true}
    }
    %scan3A_79 = arith.constant 125 : i32
    %rem3A = arith.constant 124 : i32
    %rem3A_80 = arith.constant 2 : i32
    %rem3A_81 = arith.remsi %rem3A, %rem3A_80 : i32
    %rem3A_82 = arith.constant 124 : i32
    %rem3A_83 = arith.constant 3 : i32
    %rem3A_84 = arith.remsi %rem3A_82, %rem3A_83 : i32
    %dma_wait3A = arith.constant 0 : i32
    %dma_wait3A_85 = arith.constant 0 : i32
    %dma_wait3A_86 = tpu.memref_slice %arg15[%rem3A_81, %dma_wait3A, %dma_wait3A_85] : memref<2x80x128xf32, #tpu.memory_space<vmem>> -> memref<1x80x128xf32, #tpu.memory_space<vmem>>
    %dma_wait3A_87 = tpu.memref_squeeze %dma_wait3A_86 : memref<1x80x128xf32, #tpu.memory_space<vmem>> -> memref<80x128xf32, #tpu.memory_space<vmem>>
    %dma_wait3A_88 = arith.constant 0 : i32
    %dma_wait3A_89 = tpu.memref_slice %arg11[%rem3A_84, %dma_wait3A_88] : memref<3x80xi32, #tpu.memory_space<vmem>> -> memref<1x80xi32, #tpu.memory_space<vmem>>
    %dma_wait3A_90 = tpu.memref_squeeze %dma_wait3A_89 : memref<1x80xi32, #tpu.memory_space<vmem>> -> memref<80xi32, #tpu.memory_space<vmem>>
    %dma_wait3A_91 = arith.constant 0 : i32
    %dma_wait3A_92 = arith.constant 0 : i32
    %dma_wait3A_93 = tpu.memref_slice %arg16[%dma_wait3A_91, %dma_wait3A_92] : memref<10000x128xf32, #tpu.memory_space<vmem_shared>> -> memref<10000x128xf32, #tpu.memory_space<vmem_shared>>
    tpu.wait_indirect_dma semaphore(%arg22 : memref<!tpu.dma_semaphore, #tpu.memory_space<semaphore_mem>>) src(%dma_wait3A_87 : memref<80x128xf32, #tpu.memory_space<vmem>>) dst(%dma_wait3A_93 : memref<10000x128xf32, #tpu.memory_space<vmem_shared>>)
    %rem3A_94 = arith.constant 123 : i32
    %rem3A_95 = arith.constant 2 : i32
    %rem3A_96 = arith.remsi %rem3A_94, %rem3A_95 : i32
    %dma_wait3A_97 = arith.constant 0 : i32
    %dma_wait3A_98 = tpu.memref_slice %arg13[%rem3A_96, %dma_wait3A_97] : memref<2x80xi32, #tpu.memory_space<vmem>> -> memref<1x80xi32, #tpu.memory_space<vmem>>
    %dma_wait3A_99 = tpu.memref_squeeze %dma_wait3A_98 : memref<1x80xi32, #tpu.memory_space<vmem>> -> memref<80xi32, #tpu.memory_space<vmem>>
    %dma_wait3A_100 = arith.constant 0 : i32
    %dma_wait3A_101 = tpu.memref_slice %arg17[%dma_wait3A_100] : memref<320008xf32, #tpu.memory_space<vmem_shared>> -> memref<320008xf32, #tpu.memory_space<vmem_shared>>
    tpu.wait_indirect_dma semaphore(%arg23 : memref<!tpu.dma_semaphore, #tpu.memory_space<semaphore_mem>>) src(%arg14 : memref<80xf32, #tpu.memory_space<vmem>>) dst(%dma_wait3A_101 : memref<320008xf32, #tpu.memory_space<vmem_shared>>)
    %rem3A_102 = arith.constant 124 : i32
    %rem3A_103 = arith.constant 2 : i32
    %rem3A_104 = arith.remsi %rem3A_102, %rem3A_103 : i32
    %dma_wait3A_105 = arith.constant 0 : i32
    %dma_wait3A_106 = tpu.memref_slice %arg13[%rem3A_104, %dma_wait3A_105] : memref<2x80xi32, #tpu.memory_space<vmem>> -> memref<1x80xi32, #tpu.memory_space<vmem>>
    %dma_wait3A_107 = tpu.memref_squeeze %dma_wait3A_106 : memref<1x80xi32, #tpu.memory_space<vmem>> -> memref<80xi32, #tpu.memory_space<vmem>>
    %dma_wait3A_108 = arith.constant 0 : i32
    %dma_wait3A_109 = tpu.memref_slice %arg17[%dma_wait3A_108] : memref<320008xf32, #tpu.memory_space<vmem_shared>> -> memref<320008xf32, #tpu.memory_space<vmem_shared>>
    tpu.wait_indirect_dma semaphore(%arg23 : memref<!tpu.dma_semaphore, #tpu.memory_space<semaphore_mem>>) src(%arg14 : memref<80xf32, #tpu.memory_space<vmem>>) dst(%dma_wait3A_109 : memref<320008xf32, #tpu.memory_space<vmem_shared>>)
    %barrier3A_110 = arith.constant 0 : index
    tpu.barrier barrier_id(%barrier3A_110)
    %eq3A_111 = arith.constant 0 : i32
    %eq3A_112 = arith.cmpi eq, %arg1, %eq3A_111 : i32
    %convert_element_type3A_113 = arith.extui %eq3A_112 : i1 to i32
    %cond3A_114 = arith.constant 0 : i32
    %cond3A_115 = arith.cmpi ne, %convert_element_type3A_113, %cond3A_114 : i32
    scf.if %cond3A_115 {
      "tpu.region"() ({
        %run_scoped3A_121 = tpu.sem_alloc : memref<!tpu.dma_semaphore, #tpu.memory_space<semaphore_mem>>
        %dma_start3A_122 = arith.constant 0 : i32
        %dma_start3A_123 = arith.constant 0 : i32
        %dma_start3A_124 = tpu.memref_slice %arg8[%arg0, %dma_start3A_122, %dma_start3A_123] : memref<2x10000x128xf32, #tpu.memory_space<hbm>> -> memref<1x10000x128xf32, #tpu.memory_space<hbm>>
        %dma_start3A_125 = tpu.memref_squeeze %dma_start3A_124 : memref<1x10000x128xf32, #tpu.memory_space<hbm>> -> memref<10000x128xf32, #tpu.memory_space<hbm>>
        %dma_start3A_126 = arith.constant 0 : i32
        %dma_start3A_127 = arith.constant 0 : i32
        %dma_start3A_128 = tpu.memref_slice %arg16[%dma_start3A_126, %dma_start3A_127] : memref<10000x128xf32, #tpu.memory_space<vmem_shared>> -> memref<10000x128xf32, #tpu.memory_space<vmem_shared>>
        tpu.enqueue_dma source(%dma_start3A_128 : memref<10000x128xf32, #tpu.memory_space<vmem_shared>>) target(%dma_start3A_125 : memref<10000x128xf32, #tpu.memory_space<hbm>>) target_semaphore(%run_scoped3A_121 : memref<!tpu.dma_semaphore, #tpu.memory_space<semaphore_mem>>)
        %dma_wait3A_129 = arith.constant 0 : i32
        %dma_wait3A_130 = arith.constant 0 : i32
        %dma_wait3A_131 = tpu.memref_slice %arg8[%arg0, %dma_wait3A_129, %dma_wait3A_130] : memref<2x10000x128xf32, #tpu.memory_space<hbm>> -> memref<1x10000x128xf32, #tpu.memory_space<hbm>>
        %dma_wait3A_132 = tpu.memref_squeeze %dma_wait3A_131 : memref<1x10000x128xf32, #tpu.memory_space<hbm>> -> memref<10000x128xf32, #tpu.memory_space<hbm>>
        %dma_wait3A_133 = arith.constant 0 : i32
        %dma_wait3A_134 = arith.constant 0 : i32
        %dma_wait3A_135 = tpu.memref_slice %arg16[%dma_wait3A_133, %dma_wait3A_134] : memref<10000x128xf32, #tpu.memory_space<vmem_shared>> -> memref<10000x128xf32, #tpu.memory_space<vmem_shared>>
        tpu.wait_dma2 semaphore(%run_scoped3A_121 : memref<!tpu.dma_semaphore, #tpu.memory_space<semaphore_mem>>) src(%dma_wait3A_135 : memref<10000x128xf32, #tpu.memory_space<vmem_shared>>) dst(%dma_wait3A_132 : memref<10000x128xf32, #tpu.memory_space<hbm>>)
        tpu.yield
      }) : () -> ()
    } else {
    }
    %eq3A_116 = arith.constant 1 : i32
    %eq3A_117 = arith.cmpi eq, %arg1, %eq3A_116 : i32
    %convert_element_type3A_118 = arith.extui %eq3A_117 : i1 to i32
    %cond3A_119 = arith.constant 0 : i32
    %cond3A_120 = arith.cmpi ne, %convert_element_type3A_118, %cond3A_119 : i32
    scf.if %cond3A_120 {
      %run_scoped3A_121 = arith.constant 0 : i32
      "tpu.region"() ({
        %run_scoped3A_122 = tpu.sem_alloc : memref<!tpu.dma_semaphore, #tpu.memory_space<semaphore_mem>>
        %dma_start3A_123 = arith.constant 0 : i32
        %dma_start3A_124 = tpu.memref_slice %arg9[%arg0, %run_scoped3A_121, %dma_start3A_123] : memref<2x1x320008xf32, #tpu.memory_space<hbm>> -> memref<1x1x320008xf32, #tpu.memory_space<hbm>>
        %dma_start3A_125 = tpu.memref_squeeze %dma_start3A_124 : memref<1x1x320008xf32, #tpu.memory_space<hbm>> -> memref<320008xf32, #tpu.memory_space<hbm>>
        tpu.enqueue_dma source(%arg17 : memref<320008xf32, #tpu.memory_space<vmem_shared>>) target(%dma_start3A_125 : memref<320008xf32, #tpu.memory_space<hbm>>) target_semaphore(%run_scoped3A_122 : memref<!tpu.dma_semaphore, #tpu.memory_space<semaphore_mem>>)
        %dma_wait3A_126 = arith.constant 0 : i32
        %dma_wait3A_127 = tpu.memref_slice %arg9[%arg0, %run_scoped3A_121, %dma_wait3A_126] : memref<2x1x320008xf32, #tpu.memory_space<hbm>> -> memref<1x1x320008xf32, #tpu.memory_space<hbm>>
        %dma_wait3A_128 = tpu.memref_squeeze %dma_wait3A_127 : memref<1x1x320008xf32, #tpu.memory_space<hbm>> -> memref<320008xf32, #tpu.memory_space<hbm>>
        tpu.wait_dma2 semaphore(%run_scoped3A_122 : memref<!tpu.dma_semaphore, #tpu.memory_space<semaphore_mem>>) src(%arg17 : memref<320008xf32, #tpu.memory_space<vmem_shared>>) dst(%dma_wait3A_128 : memref<320008xf32, #tpu.memory_space<hbm>>)
        tpu.yield
      }) : () -> ()
    } else {
    }
    return
  }
}

module attributes {stable_mosaic.version = 14 : i64} {
  func.func @_argmax_body(%arg0: memref<10000x64xf32, #tpu.memory_space<vmem>>, %arg1: memref<10000xi32, #tpu.memory_space<vmem>>) attributes {dimension_semantics = [], scalar_prefetch = 0 : i64, scratch_operands = 0 : i64, tpu.core_type = #tpu.core_type<tc>} {
    %get3A = arith.constant 0 : index
    %get3A_0 = arith.constant 0 : index
    %get3A_1 = vector.load %arg0[%get3A, %get3A_0] : memref<10000x64xf32, #tpu.memory_space<vmem>>, vector<10000x64xf32>
    %reduce_max3A = arith.constant dense<0xFF800000> : vector<10000xf32>
    %reduce_max3A_2 = vector.multi_reduction <maximumf>, %get3A_1, %reduce_max3A [1] : vector<10000x64xf32> to vector<10000xf32>
    %broadcast_in_dim3A = vector.shape_cast %reduce_max3A_2 : vector<10000xf32> to vector<10000x1xf32>
    %iota3A = tpu.iota {dimensions = array<i32: 1>} : vector<10000x64xi32>
    %eq3A = vector.broadcast %broadcast_in_dim3A : vector<10000x1xf32> to vector<10000x64xf32>
    %eq3A_3 = arith.cmpf oeq, %get3A_1, %eq3A : vector<10000x64xf32>
    %jit3A = arith.constant 64 : i32
    %broadcast_in_dim3A_4 = vector.broadcast %jit3A : i32 to vector<10000x64xi32>
    %select_n3A = arith.select %eq3A_3, %iota3A, %broadcast_in_dim3A_4 : vector<10000x64xi1>, vector<10000x64xi32>
    %reduce_min3A = arith.constant dense<2147483647> : vector<10000xi32>
    %reduce_min3A_5 = vector.multi_reduction <minsi>, %select_n3A, %reduce_min3A [1] : vector<10000x64xi32> to vector<10000xi32>
    %swap3A = arith.constant 0 : index
    %swap3A_6 = vector.load %arg1[%swap3A] : memref<10000xi32, #tpu.memory_space<vmem>>, vector<10000xi32>
    tpu.vector_store %arg1[%swap3A], %reduce_min3A_5 {strides = array<i32>} : memref<10000xi32, #tpu.memory_space<vmem>>, vector<10000xi32>,
    return
  }
}

module attributes {stable_mosaic.version = 14 : i64} {
  func.func @_finish_body(%arg0: i32, %arg1: memref<10000x64xf32, #tpu.memory_space<vmem>>, %arg2: memref<10000x1xi32, #tpu.memory_space<vmem>>, %arg3: memref<10000x1xf32, #tpu.memory_space<vmem>>, %arg4: memref<1xf32, #tpu.memory_space<vmem>>, %arg5: memref<1xf32, #tpu.memory_space<vmem>>, %arg6: memref<1000x256xf32, #tpu.memory_space<vmem>>, %arg7: memref<1000x128xf32, #tpu.memory_space<vmem>>, %arg8: memref<1000x128xf32, #tpu.memory_space<vmem>>, %arg9: memref<1000x256xf32, #tpu.memory_space<vmem>>, %arg10: memref<10000x1xf32, #tpu.memory_space<vmem>>, %arg11: memref<10000x1xf32, #tpu.memory_space<vmem>>) attributes {dimension_semantics = [#tpu.dimension_semantics<arbitrary>], iteration_bounds = array<i64: 10>, scalar_prefetch = 0 : i64, scratch_operands = 1 : i64, tpu.core_type = #tpu.core_type<tc>, window_params = [{pipeline_mode = #tpu.pipeline_mode<synchronous>, transform_indices = @transform_0, window_bounds = array<i64: 10000, 64>}, {pipeline_mode = #tpu.pipeline_mode<synchronous>, transform_indices = @transform_1, window_bounds = array<i64: 10000, 1>}, {pipeline_mode = #tpu.pipeline_mode<synchronous>, transform_indices = @transform_2, window_bounds = array<i64: 10000, 1>}, {pipeline_mode = #tpu.pipeline_mode<synchronous>, transform_indices = @transform_3, window_bounds = array<i64: 1>}, {pipeline_mode = #tpu.pipeline_mode<synchronous>, transform_indices = @transform_4, window_bounds = array<i64: 1>}, {transform_indices = @transform_5, window_bounds = array<i64: 1000, 256>}, {transform_indices = @transform_6, window_bounds = array<i64: 1000, 128>}, {transform_indices = @transform_7, window_bounds = array<i64: 1000, 128>}, {transform_indices = @transform_8, window_bounds = array<i64: 1000, 256>}, {pipeline_mode = #tpu.pipeline_mode<synchronous>, transform_indices = @transform_9, window_bounds = array<i64: 10000, 1>}]} {
    %eq3A = arith.constant 0 : i32
    %eq3A_0 = arith.cmpi eq, %arg0, %eq3A : i32
    %convert_element_type3A = arith.extui %eq3A_0 : i1 to i32
    %cond3A = arith.constant 0 : i32
    %cond3A_1 = arith.cmpi ne, %convert_element_type3A, %cond3A : i32
    scf.if %cond3A_1 {
      %get3A_27 = arith.constant 0 : index
      %get3A_28 = arith.constant 0 : index
      %get3A_29 = vector.load %arg1[%get3A_27, %get3A_28] : memref<10000x64xf32, #tpu.memory_space<vmem>>, vector<10000x64xf32>
      %reduce_sum3A = arith.constant dense<0.000000e+00> : vector<10000xf32>
      %reduce_sum3A_30 = vector.multi_reduction <add>, %get3A_29, %reduce_sum3A [1] : vector<10000x64xf32> to vector<10000xf32>
      %broadcast_in_dim3A = vector.shape_cast %reduce_sum3A_30 : vector<10000xf32> to vector<10000x1xf32>
      %max3A = arith.constant 1.000000e+00 : f32
      %max3A_31 = vector.broadcast %max3A : f32 to vector<10000x1xf32>
      %max3A_32 = arith.maximumf %broadcast_in_dim3A, %max3A_31 : vector<10000x1xf32>
      %get3A_33 = arith.constant 0 : index
      %get3A_34 = arith.constant 0 : index
      %get3A_35 = vector.load %arg2[%get3A_33, %get3A_34] : memref<10000x1xi32, #tpu.memory_space<vmem>>, vector<10000x1xi32>
      %iota3A = tpu.iota {dimensions = array<i32: 1>} : vector<10000x64xi32>
      %eq3A_36 = vector.broadcast %get3A_35 : vector<10000x1xi32> to vector<10000x64xi32>
      %eq3A_37 = arith.cmpi eq, %iota3A, %eq3A_36 : vector<10000x64xi32>
      %jit3A = arith.constant 0.000000e+00 : f32
      %broadcast_in_dim3A_38 = vector.broadcast %jit3A : f32 to vector<10000x64xf32>
      %select_n3A = arith.select %eq3A_37, %get3A_29, %broadcast_in_dim3A_38 : vector<10000x64xi1>, vector<10000x64xf32>
      %reduce_sum3A_39 = arith.constant dense<0.000000e+00> : vector<10000xf32>
      %reduce_sum3A_40 = vector.multi_reduction <add>, %select_n3A, %reduce_sum3A_39 [1] : vector<10000x64xf32> to vector<10000xf32>
      %broadcast_in_dim3A_41 = vector.shape_cast %reduce_sum3A_40 : vector<10000xf32> to vector<10000x1xf32>
      %div3A = arith.divf %broadcast_in_dim3A_41, %max3A_32 : vector<10000x1xf32>
      %div3A_42 = vector.broadcast %max3A_32 : vector<10000x1xf32> to vector<10000x64xf32>
      %div3A_43 = arith.divf %get3A_29, %div3A_42 : vector<10000x64xf32>
      %max3A_44 = arith.constant 9.99999974E-6 : f32
      %max3A_45 = vector.broadcast %max3A_44 : f32 to vector<10000x64xf32>
      %max3A_46 = arith.maximumf %div3A_43, %max3A_45 : vector<10000x64xf32>
      %log3A = math.log %max3A_46 : vector<10000x64xf32>
      %mul3A_47 = arith.mulf %max3A_46, %log3A : vector<10000x64xf32>
      %reduce_sum3A_48 = arith.constant dense<0.000000e+00> : vector<10000xf32>
      %reduce_sum3A_49 = vector.multi_reduction <add>, %mul3A_47, %reduce_sum3A_48 [1] : vector<10000x64xf32> to vector<10000xf32>
      %broadcast_in_dim3A_50 = vector.shape_cast %reduce_sum3A_49 : vector<10000xf32> to vector<10000x1xf32>
      %neg3A = arith.constant 0.000000e+00 : f32
      %neg3A_51 = vector.broadcast %neg3A : f32 to vector<10000x1xf32>
      %neg3A_52 = arith.subf %neg3A_51, %broadcast_in_dim3A_50 : vector<10000x1xf32>
      %reduce_sum3A_53 = vector.shape_cast %div3A : vector<10000x1xf32> to vector<1x10000x1xf32>
      %reduce_sum3A_54 = arith.constant dense<0.000000e+00> : vector<1xf32>
      %reduce_sum3A_55 = vector.multi_reduction <add>, %reduce_sum3A_53, %reduce_sum3A_54 [1, 2] : vector<1x10000x1xf32> to vector<1xf32>
      %reduce_sum3A_56 = vector.shape_cast %reduce_sum3A_55 : vector<1xf32> to vector<1x1x1xf32>
      %reduce_sum3A_57 = vector.extract %reduce_sum3A_56[0, 0, 0] : f32 from vector<1x1x1xf32>
      %div3A_58 = arith.constant 1.000000e+04 : f32
      %div3A_59 = arith.divf %reduce_sum3A_57, %div3A_58 : f32
      %sub3A = vector.broadcast %div3A_59 : f32 to vector<10000x1xf32>
      %sub3A_60 = arith.subf %div3A, %sub3A : vector<10000x1xf32>
      %integer_pow3A = arith.mulf %sub3A_60, %sub3A_60 : vector<10000x1xf32>
      %reduce_sum3A_61 = vector.shape_cast %integer_pow3A : vector<10000x1xf32> to vector<1x10000x1xf32>
      %reduce_sum3A_62 = arith.constant dense<0.000000e+00> : vector<1xf32>
      %reduce_sum3A_63 = vector.multi_reduction <add>, %reduce_sum3A_61, %reduce_sum3A_62 [1, 2] : vector<1x10000x1xf32> to vector<1xf32>
      %reduce_sum3A_64 = vector.shape_cast %reduce_sum3A_63 : vector<1xf32> to vector<1x1x1xf32>
      %reduce_sum3A_65 = vector.extract %reduce_sum3A_64[0, 0, 0] : f32 from vector<1x1x1xf32>
      %div3A_66 = arith.constant 1.000000e+04 : f32
      %div3A_67 = arith.divf %reduce_sum3A_65, %div3A_66 : f32
      %sub3A_68 = vector.broadcast %div3A_59 : f32 to vector<10000x1xf32>
      %sub3A_69 = arith.subf %div3A, %sub3A_68 : vector<10000x1xf32>
      %add3A_70 = arith.constant 9.99999974E-6 : f32
      %add3A_71 = arith.addf %div3A_67, %add3A_70 : f32
      %rsqrt3A = math.rsqrt %add3A_71 : f32
      %mul3A_72 = vector.broadcast %rsqrt3A : f32 to vector<10000x1xf32>
      %mul3A_73 = arith.mulf %sub3A_69, %mul3A_72 : vector<10000x1xf32>
      %get3A_74 = arith.constant 0 : index
      %get3A_75 = vector.load %arg4[%get3A_74] : memref<1xf32, #tpu.memory_space<vmem>>, vector<1xf32>
      %get3A_76 = vector.extract %get3A_75[0] : f32 from vector<1xf32>
      %sub3A_77 = vector.broadcast %get3A_76 : f32 to vector<10000x1xf32>
      %sub3A_78 = arith.subf %mul3A_73, %sub3A_77 : vector<10000x1xf32>
      %neg3A_79 = arith.constant 0.000000e+00 : f32
      %neg3A_80 = vector.broadcast %neg3A_79 : f32 to vector<10000x1xf32>
      %neg3A_81 = arith.subf %neg3A_80, %sub3A_78 : vector<10000x1xf32>
      %logistic3A = arith.negf %neg3A_81 : vector<10000x1xf32>
      %logistic3A_82 = math.exp %logistic3A : vector<10000x1xf32>
      %logistic3A_83 = arith.constant 1.000000e+00 : f32
      %logistic3A_84 = vector.broadcast %logistic3A_83 : f32 to vector<10000x1xf32>
      %logistic3A_85 = arith.addf %logistic3A_84, %logistic3A_82 : vector<10000x1xf32>
      %logistic3A_86 = arith.divf %logistic3A_84, %logistic3A_85 : vector<10000x1xf32>
      %reduce_sum3A_87 = vector.shape_cast %neg3A_52 : vector<10000x1xf32> to vector<1x10000x1xf32>
      %reduce_sum3A_88 = arith.constant dense<0.000000e+00> : vector<1xf32>
      %reduce_sum3A_89 = vector.multi_reduction <add>, %reduce_sum3A_87, %reduce_sum3A_88 [1, 2] : vector<1x10000x1xf32> to vector<1xf32>
      %reduce_sum3A_90 = vector.shape_cast %reduce_sum3A_89 : vector<1xf32> to vector<1x1x1xf32>
      %reduce_sum3A_91 = vector.extract %reduce_sum3A_90[0, 0, 0] : f32 from vector<1x1x1xf32>
      %div3A_92 = arith.constant 1.000000e+04 : f32
      %div3A_93 = arith.divf %reduce_sum3A_91, %div3A_92 : f32
      %sub3A_94 = vector.broadcast %div3A_93 : f32 to vector<10000x1xf32>
      %sub3A_95 = arith.subf %neg3A_52, %sub3A_94 : vector<10000x1xf32>
      %integer_pow3A_96 = arith.mulf %sub3A_95, %sub3A_95 : vector<10000x1xf32>
      %reduce_sum3A_97 = vector.shape_cast %integer_pow3A_96 : vector<10000x1xf32> to vector<1x10000x1xf32>
      %reduce_sum3A_98 = arith.constant dense<0.000000e+00> : vector<1xf32>
      %reduce_sum3A_99 = vector.multi_reduction <add>, %reduce_sum3A_97, %reduce_sum3A_98 [1, 2] : vector<1x10000x1xf32> to vector<1xf32>
      %reduce_sum3A_100 = vector.shape_cast %reduce_sum3A_99 : vector<1xf32> to vector<1x1x1xf32>
      %reduce_sum3A_101 = vector.extract %reduce_sum3A_100[0, 0, 0] : f32 from vector<1x1x1xf32>
      %div3A_102 = arith.constant 1.000000e+04 : f32
      %div3A_103 = arith.divf %reduce_sum3A_101, %div3A_102 : f32
      %sub3A_104 = vector.broadcast %div3A_93 : f32 to vector<10000x1xf32>
      %sub3A_105 = arith.subf %neg3A_52, %sub3A_104 : vector<10000x1xf32>
      %add3A_106 = arith.constant 9.99999974E-6 : f32
      %add3A_107 = arith.addf %div3A_103, %add3A_106 : f32
      %rsqrt3A_108 = math.rsqrt %add3A_107 : f32
      %mul3A_109 = vector.broadcast %rsqrt3A_108 : f32 to vector<10000x1xf32>
      %mul3A_110 = arith.mulf %sub3A_105, %mul3A_109 : vector<10000x1xf32>
      %get3A_111 = arith.constant 0 : index
      %get3A_112 = vector.load %arg5[%get3A_111] : memref<1xf32, #tpu.memory_space<vmem>>, vector<1xf32>
      %get3A_113 = vector.extract %get3A_112[0] : f32 from vector<1xf32>
      %sub3A_114 = vector.broadcast %get3A_113 : f32 to vector<10000x1xf32>
      %sub3A_115 = arith.subf %mul3A_110, %sub3A_114 : vector<10000x1xf32>
      %neg3A_116 = arith.constant 0.000000e+00 : f32
      %neg3A_117 = vector.broadcast %neg3A_116 : f32 to vector<10000x1xf32>
      %neg3A_118 = arith.subf %neg3A_117, %sub3A_115 : vector<10000x1xf32>
      %logistic3A_119 = arith.negf %neg3A_118 : vector<10000x1xf32>
      %logistic3A_120 = math.exp %logistic3A_119 : vector<10000x1xf32>
      %logistic3A_121 = arith.constant 1.000000e+00 : f32
      %logistic3A_122 = vector.broadcast %logistic3A_121 : f32 to vector<10000x1xf32>
      %logistic3A_123 = arith.addf %logistic3A_122, %logistic3A_120 : vector<10000x1xf32>
      %logistic3A_124 = arith.divf %logistic3A_122, %logistic3A_123 : vector<10000x1xf32>
      %mul3A_125 = arith.mulf %logistic3A_86, %logistic3A_124 : vector<10000x1xf32>
      %get3A_126 = arith.constant 0 : index
      %get3A_127 = arith.constant 0 : index
      %get3A_128 = vector.load %arg3[%get3A_126, %get3A_127] : memref<10000x1xf32, #tpu.memory_space<vmem>>, vector<10000x1xf32>
      %min3A = arith.minimumf %get3A_128, %mul3A_125 : vector<10000x1xf32>
      %rsqrt3A_129 = math.rsqrt %max3A_32 : vector<10000x1xf32>
      %mul3A_130 = arith.mulf %min3A, %rsqrt3A_129 : vector<10000x1xf32>
      %swap3A_131 = arith.constant 0 : index
      %swap3A_132 = arith.constant 0 : index
      %swap3A_133 = vector.load %arg11[%swap3A_131, %swap3A_132] : memref<10000x1xf32, #tpu.memory_space<vmem>>, vector<10000x1xf32>
      tpu.vector_store %arg11[%swap3A_131, %swap3A_132], %mul3A_130 {strides = array<i32>} : memref<10000x1xf32, #tpu.memory_space<vmem>>, vector<10000x1xf32>,
      %swap3A_134 = arith.constant 0 : index
      %swap3A_135 = arith.constant 0 : index
      %swap3A_136 = vector.load %arg10[%swap3A_134, %swap3A_135] : memref<10000x1xf32, #tpu.memory_space<vmem>>, vector<10000x1xf32>
      tpu.vector_store %arg10[%swap3A_134, %swap3A_135], %mul3A_125 {strides = array<i32>} : memref<10000x1xf32, #tpu.memory_space<vmem>>, vector<10000x1xf32>,
    } else {
    }
    %mul3A = arith.constant 1000 : i32
    %mul3A_2 = arith.muli %arg0, %mul3A : i32
    %get3A = arith.index_cast %mul3A_2 : i32 to index
    %get3A_3 = arith.constant 0 : index
    %get3A_4 = vector.load %arg11[%get3A, %get3A_3] : memref<10000x1xf32, #tpu.memory_space<vmem>>, vector<1000x1xf32>
    %get3A_5 = arith.constant 0 : index
    %get3A_6 = arith.constant 0 : index
    %get3A_7 = vector.load %arg6[%get3A_5, %get3A_6] : memref<1000x256xf32, #tpu.memory_space<vmem>>, vector<1000x128xf32>
    %get3A_8 = arith.constant 0 : index
    %get3A_9 = arith.constant 0 : index
    %get3A_10 = vector.load %arg7[%get3A_8, %get3A_9] : memref<1000x128xf32, #tpu.memory_space<vmem>>, vector<1000x128xf32>
    %mul3A_11 = vector.broadcast %get3A_4 : vector<1000x1xf32> to vector<1000x128xf32>
    %mul3A_12 = arith.mulf %mul3A_11, %get3A_10 : vector<1000x128xf32>
    %add3A = arith.addf %get3A_7, %mul3A_12 : vector<1000x128xf32>
    %swap3A = arith.constant 0 : index
    %swap3A_13 = arith.constant 0 : index
    %swap3A_14 = vector.load %arg9[%swap3A, %swap3A_13] : memref<1000x256xf32, #tpu.memory_space<vmem>>, vector<1000x128xf32>
    tpu.vector_store %arg9[%swap3A, %swap3A_13], %add3A {strides = array<i32>} : memref<1000x256xf32, #tpu.memory_space<vmem>>, vector<1000x128xf32>,
    %get3A_15 = arith.constant 0 : index
    %get3A_16 = arith.constant 128 : index
    %get3A_17 = vector.load %arg6[%get3A_15, %get3A_16] : memref<1000x256xf32, #tpu.memory_space<vmem>>, vector<1000x128xf32>
    %get3A_18 = arith.constant 0 : index
    %get3A_19 = arith.constant 0 : index
    %get3A_20 = vector.load %arg8[%get3A_18, %get3A_19] : memref<1000x128xf32, #tpu.memory_space<vmem>>, vector<1000x128xf32>
    %mul3A_21 = vector.broadcast %get3A_4 : vector<1000x1xf32> to vector<1000x128xf32>
    %mul3A_22 = arith.mulf %mul3A_21, %get3A_20 : vector<1000x128xf32>
    %add3A_23 = arith.addf %get3A_17, %mul3A_22 : vector<1000x128xf32>
    %swap3A_24 = arith.constant 0 : index
    %swap3A_25 = arith.constant 128 : index
    %swap3A_26 = vector.load %arg9[%swap3A_24, %swap3A_25] : memref<1000x256xf32, #tpu.memory_space<vmem>>, vector<1000x128xf32>
    tpu.vector_store %arg9[%swap3A_24, %swap3A_25], %add3A_23 {strides = array<i32>} : memref<1000x256xf32, #tpu.memory_space<vmem>>, vector<1000x128xf32>,
    return
  }
  func.func @transform_0(%arg0: i32) -> (i32, i32) {
    %c0_i32 = arith.constant 0 : i32
    %c0_i32_0 = arith.constant 0 : i32
    %c0_i32_1 = arith.constant 0 : i32
    return %c0_i32, %c0_i32_0 : i32, i32
  }
  func.func @transform_1(%arg0: i32) -> (i32, i32) {
    %c0_i32 = arith.constant 0 : i32
    %c0_i32_0 = arith.constant 0 : i32
    %c0_i32_1 = arith.constant 0 : i32
    return %c0_i32, %c0_i32_0 : i32, i32
  }
  func.func @transform_2(%arg0: i32) -> (i32, i32) {
    %c0_i32 = arith.constant 0 : i32
    %c0_i32_0 = arith.constant 0 : i32
    %c0_i32_1 = arith.constant 0 : i32
    return %c0_i32, %c0_i32_0 : i32, i32
  }
  func.func @transform_3(%arg0: i32) -> i32 {
    %c0_i32 = arith.constant 0 : i32
    %c0_i32_0 = arith.constant 0 : i32
    return %c0_i32 : i32
  }
  func.func @transform_4(%arg0: i32) -> i32 {
    %c0_i32 = arith.constant 0 : i32
    %c0_i32_0 = arith.constant 0 : i32
    return %c0_i32 : i32
  }
  func.func @transform_5(%arg0: i32) -> (i32, i32) {
    %c0_i32 = arith.constant 0 : i32
    %c0_i32_0 = arith.constant 0 : i32
    return %arg0, %c0_i32 : i32, i32
  }
  func.func @transform_6(%arg0: i32) -> (i32, i32) {
    %c0_i32 = arith.constant 0 : i32
    %c0_i32_0 = arith.constant 0 : i32
    return %arg0, %c0_i32 : i32, i32
  }
  func.func @transform_7(%arg0: i32) -> (i32, i32) {
    %c0_i32 = arith.constant 0 : i32
    %c0_i32_0 = arith.constant 0 : i32
    return %arg0, %c0_i32 : i32, i32
  }
  func.func @transform_8(%arg0: i32) -> (i32, i32) {
    %c0_i32 = arith.constant 0 : i32
    %c0_i32_0 = arith.constant 0 : i32
    return %arg0, %c0_i32 : i32, i32
  }
  func.func @transform_9(%arg0: i32) -> (i32, i32) {
    %c0_i32 = arith.constant 0 : i32
    %c0_i32_0 = arith.constant 0 : i32
    %c0_i32_1 = arith.constant 0 : i32
    return %c0_i32, %c0_i32_0 : i32, i32
  }
}

</mosaic_0001>

<sc_bundles>
// kernel: kernel.5.cloned.1.call-start
scs
__scs_entry_jumppad:
0x0: {  	(pc) =	sbr.rel $0x88, $3  }
0x1: {  	(tag) =	ssettag $0x0;
	lr =	simm.s32 $0x1  }
0x2: {  	[smem:$0x3F9B] =	sst lr;
	_ =	strace $0xD0000000  }
0x3: {  	_ = 	snop  }
0x4: {  	_ = 	snop  }
0x5: {  	_ = 	snop  }
0x6: {  	_ = 	snop  }
0x7: {  	_ = 	snop  }
__scs_overlays_trampoline_lowered:
0x8: {  	[smem:$0x3FAA] =	sst s0  }
0x9: {  	[smem:$0x3FAB] =	sst s1  }
0xa: {  	[smem:$0x3FAC] =	sst s2  }
0xb: {  	[smem:$0x3FAD] =	sst s3  }
0xc: {  	[smem:$0x3FAE] =	sst s4  }
0xd: {  	[smem:$0x3FAF] =	sst s5  }
0xe: {  	[smem:$0x3FB0] =	sst s6  }
0xf: {  	[smem:$0x3FB1] =	sst s7  }
0x10: {  	[smem:$0x3FB2] =	sst s8  }
0x11: {  	[smem:$0x3FB3] =	sst s9;
	s0 =	simm.s32 @!p0 $0x0  }
0x12: {  	s1 =	sld [smem:$0x3F99];
	s0 =	simm.s32 @p0 $0x1  }
0x13: {  	[smem:$0x3FB4] =	sst s0;
	s0 =	simm.s32 @!p1 $0x0  }
0x14: {  	s2 =	sld [smem:$0x3F98];
	s0 =	simm.s32 @p1 $0x1  }
0x15: {  	[smem:$0x3FB5] =	sst s0;
	s0 =	simm.s32 @!p2 $0x0  }
0x16: {  	s3 =	sld [smem:$0x3FDB];
	s0 =	simm.s32 @p2 $0x1  }
0x17: {  	s4 =	simm.s32 $0x1BF5;
	[smem:$0x3FB7] =	sst s0  }
0x18: {  	s0 =	sld [smem:$0x3F9A];
	_ =	swait.ge [sflag:s4], $0x0  }
0x19: {  	s7 =	sld [smem:$0x3F9B]  }
0x1a: {  	s8 =	sadd.s32 $0xFFFFE003, lr  }
0x1b: {  	s9 =	sadd.s32 $0xFFFFFEF7, lr;
	s5 =	simm.s32 $0xFFFFFFFF;
	p2 =	slt.u32 s8, $0xFFFFF086  }
0x1c: {  	p1 =	slt.u32 s9, $0xF7A;
	s5 =	simm.s32 @!p2 $0x0  }
0x1d: {  	s5 =	simm.s32 @p1 $0x1;
	p0 =	seq.s32 s7, s2  }
0x1e: {  	s7 =	smul.u32 @!p0 $0xF7A, s2;
	p2 =	seq.s32 @!p0 s5, $0x0  }
0x1f: {  	s9 =	smul.u32 $0xF7A, s1;
	s8 =	simm.s32 @!p0 $0x1BF5;
	p2 =	por !p2, p0  }
0x20: {  	[sflag:s8] =	ssyncset.s32 @!p0 $0xFFFFF086;
	s6 =	sadd.s32 @!p0 s3, s7;
	s7 =	simm.s32 @!p0 $0x108  }
0x21: {  	s3 =	sadd.s32 s3, s9;
	s6 =	sadd.s32 @!p0 $0x88, s6;
	s7 =	simm.s32 @p2 $0x1082  }
0x22: {  	[simem:s7], [sflag:s8] =	dma.local @!p0 [hbm:s6], $0xF7A  }
0x23: {  	s9 =	sor.u32 $0xD0000000, s2;
	s6 =	simm.s32 $0x108;
	_ =	swait.ge @!p0 [sflag:s8], $0x0  }
0x24: {  	s3 =	sadd.s32 $0x88, s3;
	s6 =	simm.s32 @!p1 $0x1082;
	[sflag:s4] =	ssyncset.s32 $0xFFFFF086  }
0x25: {  	[simem:s6], [sflag:s4] =	dma.local [hbm:s3], $0xF7A  }
0x26: {  	[smem:$0x3F9B] =	sst s1;
	(tag) =	ssettag s2;
	_ =	strace s9  }
0x27: {  	s1 =	sld [smem:$0x3FAB]  }
0x28: {  	s2 =	sld [smem:$0x3FAC]  }
0x29: {  	s4 =	sld [smem:$0x3FAE]  }
0x2a: {  	p0 =	seq.s32 s5, $0x0;
	s5 =	sld [smem:$0x3FAF]  }
0x2b: {  	s6 =	sld [smem:$0x3FB0]  }
0x2c: {  	s7 =	sld [smem:$0x3FB1]  }
0x2d: {  	s3 =	simm.s32 $0x108;
	s8 =	sld [smem:$0x3FB2]  }
0x2e: {  	s3 =	simm.s32 @!p0 $0x1082;
	s9 =	sld [smem:$0x3FB3]  }
0x2f: {  	lr =	sadd.s32 s0, s3;
	s0 =	sld [smem:$0x3FAA]  }
0x30: {  	s3 =	sld [smem:$0x3FAD]  }
0x31: {  	[smem:$0x3FB6] =	sst s10  }
0x32: {  	s10 =	sld [smem:$0x3FB4];
	_ =	sdelay $0x3  }
0x33: {  	p0 =	seq.s32 s10, $0x1;
	s10 =	sld [smem:$0x3FB6];
	_ =	sdelay $0x3  }
0x34: {  	[smem:$0x3FB6] =	sst s10  }
0x35: {  	s10 =	sld [smem:$0x3FB5];
	_ =	sdelay $0x3  }
0x36: {  	p1 =	seq.s32 s10, $0x1;
	s10 =	sld [smem:$0x3FB6];
	_ =	sdelay $0x3  }
0x37: {  	[smem:$0x3FB6] =	sst s10  }
0x38: {  	s10 =	sld [smem:$0x3FB7]  }
0x39: {  	_ = 	snop;
	(pc) =	sbr.ind lr, $3  }
0x3a: {  	_ = 	snop  }
0x3b: {  	_ = 	snop  }
0x3c: {  	p2 =	seq.s32 s10, $0x1;
	s10 =	sld [smem:$0x3FB6]  }
0x3d: {  	_ =	shalt  }
0x3e: {  	_ =	shalt  }
0x3f: {  	_ =	shalt  }
0x40: {  	_ =	shalt  }
0x41: {  	_ =	shalt  }
0x42: {  	_ =	shalt  }
0x43: {  	_ =	shalt  }
0x44: {  	_ =	shalt  }
0x45: {  	_ =	shalt  }
0x46: {  	_ =	shalt  }
0x47: {  	_ =	shalt  }
0x48: {  	_ =	shalt  }
0x49: {  	_ =	shalt  }
0x4a: {  	_ =	shalt  }
0x4b: {  	_ =	shalt  }
0x4c: {  	_ =	shalt  }
0x4d: {  	_ =	shalt  }
0x4e: {  	_ =	shalt  }
0x4f: {  	_ =	shalt  }
0x50: {  	_ =	shalt  }
0x51: {  	_ =	shalt  }
0x52: {  	_ =	shalt  }
0x53: {  	_ =	shalt  }
0x54: {  	_ =	shalt  }
0x55: {  	_ =	shalt  }
0x56: {  	_ =	shalt  }
0x57: {  	_ =	shalt  }
0x58: {  	_ =	shalt  }
0x59: {  	_ =	shalt  }
0x5a: {  	_ =	shalt  }
0x5b: {  	_ =	shalt  }
0x5c: {  	_ =	shalt  }
0x5d: {  	_ =	shalt  }
0x5e: {  	_ =	shalt  }
0x5f: {  	_ =	shalt  }
0x60: {  	_ =	shalt  }
0x61: {  	_ =	shalt  }
0x62: {  	_ =	shalt  }
0x63: {  	_ =	shalt  }
0x64: {  	_ =	shalt  }
0x65: {  	_ =	shalt  }
0x66: {  	_ =	shalt  }
0x67: {  	_ =	shalt  }
0x68: {  	_ =	shalt  }
0x69: {  	_ =	shalt  }
0x6a: {  	_ =	shalt  }
0x6b: {  	_ =	shalt  }
0x6c: {  	_ =	shalt  }
0x6d: {  	_ =	shalt  }
0x6e: {  	_ =	shalt  }
0x6f: {  	_ =	shalt  }
0x70: {  	_ =	shalt  }
0x71: {  	_ =	shalt  }
0x72: {  	_ =	shalt  }
0x73: {  	_ =	shalt  }
0x74: {  	_ =	shalt  }
0x75: {  	_ =	shalt  }
0x76: {  	_ =	shalt  }
0x77: {  	_ =	shalt  }
0x78: {  	_ =	shalt  }
0x79: {  	_ =	shalt  }
0x7a: {  	_ =	shalt  }
0x7b: {  	_ =	shalt  }
0x7c: {  	_ =	shalt  }
0x7d: {  	_ =	shalt  }
0x7e: {  	_ =	shalt  }
0x7f: {  	_ =	shalt  }
0x80: {  	_ =	shalt  }
0x81: {  	_ =	shalt  }
0x82: {  	_ =	shalt  }
0x83: {  	_ =	shalt  }
0x84: {  	_ =	shalt  }
0x85: {  	_ =	shalt  }
0x86: {  	_ =	shalt  }
0x87: {  	_ =	shalt  }
.Lfunc_end0:
.L_simem_size_0:
called_computation_lowered:
.L_overlay_start_0:
0x88: {  	s2 =	sld [smem:$0x3FD9]  }
0x89: {  	s3 =	sld [smem:$0x3FFE];
	_ =	sdelay $0x1  }
0x8a: {  	s1 =	srdreg.scid  }
0x8b: {  	s0 =	sand.u32 $0x1, s1  }
0x8c: {  	s14 =	sshll.u32 s0, $0xA;
	s2 =	sadd.s32 s3, s2  }
0x8d: {  	s2 =	sadd.s32 s2, s14  }
0x8e: {  	[smem:$0x3FC2] =	sst s2  }
0x8f: {  	_ = 	snop  }
0x90: {  	s2 =	sld [smem:$0x3FD0];
	_ =	sdelay $0x2  }
0x91: {  	s15 =	simm.s32 $0xA;
	s4 =	simm.s32 $0x10  }
0x92: {  	[smem:s4], [sflag:s15] =	dma.local [hbm:s2], $0x1  }
0x93: {  	_ =	swait.eq [sflag:s15], $0x1  }
0x94: {  	[sflag:s15] =	ssyncset.done $0x0  }
0x95: {  	s16 =	sld [smem:$0x10];
	[sflag:s15] =	ssyncadd.s32 $0xFFFFFFFF  }
0x96: {  	s17 =	sld [smem:$0x11];
	(tm) =	ssettm $0x1  }
0x97: {  	s18 =	sld [smem:$0x3FFB];
	_ =	sdelay $0x3  }
0x98: {  	_ =	strace s18  }
0x99: {  	s4 =	sld [smem:$0x3FFC];
	_ =	sdelay $0x3  }
0x9a: {  	_ =	strace s4  }
0x9b: {  	s4 =	sld [smem:$0x3FFD];
	_ =	sdelay $0x3  }
0x9c: {  	_ =	strace s4  }
0x9d: {  	_ =	strace $0x8FFFFFFF  }
0x9e: {  	s19 =	sld [smem:$0x3FDB];
	_ =	sdelay $0x1  }
0x9f: {  	s5 =	simm.s32 $_scs_section_size  }
0xa0: {  	s6 =	simm.s32 $_size__tile_overlayer_lowered;
	s7 =	simm.s32 $_tile_overlayer_lowered  }
0xa1: {  	s22 =	simm.s32 $0x1BFF;
	s21 =	sshll.u32 s7, $0x1;
	s4 =	sadd.s32 s5, s19  }
0xa2: {  	s8 =	simm.s32 $0x0;
	s20 =	sshll.u32 s6, $0x1;
	s6 =	sadd.s32 s21, s4  }
0xa3: {  	[timem:s8], [sflag:s22] =	dma.local [hbm:s6], s20  }
0xa4: {  	_ =	swait.ge [sflag:s22], s20  }
0xa5: {  	s5 =	ssub.s32 $0x0, s20;
	[sflag:s22] =	ssyncset.done $0x0  }
0xa6: {  	[sflag:s22] =	ssyncadd.s32 s5;
	_ =	sdelay $0x1  }
0xa7: {  	s23 =	simm.s32 $0x1B8B  }
0xa8: {  	_ =	swait.ge [sflag:s23], $0x1  }
0xa9: {  	[sflag:s23] =	ssyncset.done $0x0  }
0xaa: {  	s25 =	simm.s32 $0x1B8E;
	s24 =	sld [smem:$0x3FFE];
	[sflag:s23] =	ssyncadd.s32 $0xFFFFFFFF  }
0xab: {  	s26 =	simm.s32 $execute0_lowered;
	[smem:$0x3FD2] =	sst s25  }
0xac: {  	s6 =	sshll.u32 s26, $0x1;
	_ =	strace $0x80000046;
	[dreg:$0x1] =	wrdreg $0xFFFFFFFF  }
0xad: {  	s28 =	simm.s32 $_size_execute0_lowered;
	s4 =	sadd.s32 s4, s6;
	[dreg:$0x0] =	wrdreg $0x0  }
0xae: {  	s6 =	sshll.u32 s28, $0x1;
	[dreg:$0x2] =	wrdreg s4  }
0xaf: {  	[dreg:$0x3] =	wrdreg s6  }
0xb0: {  	[dreg:$0x4] =	wrdreg $0xC0  }
0xb1: {  	_ =	task [dreg:s8], $0x5FFFF  }
0xb2: {  	[dreg:$0x1] =	wrdreg $0xFFFFFFFF  }
0xb3: {  	[dreg:$0x0] =	wrdreg $0x60  }
0xb4: {  	[dreg:$0x2] =	wrdreg s24  }
0xb5: {  	[dreg:$0x3] =	wrdreg s17  }
0xb6: {  	[dreg:$0x4] =	wrdreg s16  }
0xb7: {  	[dreg:$0x5] =	wrdreg $0x56800  }
0xb8: {  	[dreg:$0x6] =	wrdreg $0x18F000  }
0xb9: {  	[dreg:$0x7] =	wrdreg $0x9  }
0xba: {  	_ =	task.clear_ibuf [dreg:s8], $0x8FFFF;
	_ =	strace $0x90000046  }
0xbb: {  	s29 =	simm.s32 $0x9;
	_ =	strace $0x80000048  }
0xbc: {  	_ =	swait.ge [sflag:s29], $0x1  }
0xbd: {  	[sflag:s29] =	ssyncadd.s32 $0xFFFFFFFF  }
0xbe: {  	_ =	strace $0x90000048  }
0xbf: {  	_ =	sfence  }
0xc0: {  	s30 =	sld [smem:$0x0];
	_ =	sdelay $0x2  }
0xc1: {  	s31 =	sshll.u32 s1, $0xD;
	s1 =	sshrl.u32 s1, $0x2  }
0xc2: {  	s3 =	sand.u32 $0x4000, s31;
	s1 =	sadd.s32 s1, s30  }
0xc3: {  	s0 =	sor.u32 s3, s0;
	s1 =	sshll.u32 s1, $0x11  }
0xc4: {  	s0 =	sor.u32 s1, s0  }
0xc5: {  	s0 =	sadd.s32 $0x8F2B, s0  }
0xc6: {  	[sflag:s0] =	ssyncadd.remote.s32 $0x1  }
0xc7: {  	_ =	sfence.sel $0xFFFF  }
0xc8: {  	[dreg:$0x0] =	wrdreg $0xFFFFFFFF;
	(pc) =	sbr.abs _section_cstart, $3  }
0xc9: {  	[dreg:$0x1] =	wrdreg $0xFFFFFFFF  }
0xca: {  	_ =	task.clear_ibuf [dreg:s8], $0x2FFFF;
	_ =	strace $0x9FFFFFFF  }
0xcb: {  	(tm) =	ssettm $0x7FFFFFFF  }
tec
execute0_lowered:
.L_overlay_start_1:
0x0: {  	(tag) =	ssettag $0x1  }
0x1: {  	s0 =	rddreg [dreg:$0x0]  }
0x2: {  	s1 =	rddreg [dreg:$0x1]  }
0x3: {  	s5 =	rddreg [dreg:$0x2]  }
0x4: {  	s2 =	rddreg [dreg:$0x3]  }
0x5: {  	s3 =	rddreg [dreg:$0x4];
	s6 =	srdreg.scid  }
0x6: {  	s4 =	simm.s32 $0x0;
	s15 =	stileid.u32;
	s26 =	simm.s32 $0x600  }
0x7: {  	s28 =	simm.s32 $0x3;
	s29 =	simm.s32 $0x4;
	s30 =	simm.s32 $0x5  }
0x8: {  	s31 =	simm.s32 $0x6;
	s6 =	sand.u32 $0x1, s6;
	[smem:$0x7FF] =	sst s4  }
0x9: {  	s9 =	sadd.s32 $0x5000, s0;
	s10 =	sadd.s32 $0xA000, s0;
	s17 =	smul.u32 $0x2710, s15  }
0xa: {  	s11 =	sadd.s32 $0x31200, s0;
	s22 =	smul.u32 $0x4E2, s15;
	p1 =	seq.s32 s15, $0x1  }
0xb: {  	s7 =	smul.u32 $0x27100, s6;
	_ =	strace $0x80000047;
	[dreg:$0x7] =	wrdreg s10  }
0xc: {  	s8 =	smul.u32 $0x9C50, s6;
	[dreg:$0x8] =	wrdreg s11;
	s12 =	ssub.s32 $0x2, s6  }
0xd: {  	s6 =	smul.u32 $0x1388, s6;
	p0 =	sne.s32 @!p1 s15, $0x0;
	[dreg:$0x6] =	wrdreg s26  }
0xe: {  	s13 =	sshrl.u32 s12, $0x1;
	s14 =	sshrl.u32 s17, $0x3;
	s25 =	sadd.s32 s22, s9  }
0xf: {  	p2 =	por p0, p1;
	s18 =	sadd.s32 s7, s0;
	s10 =	sadd.s32 s9, s14  }
0x10: {  	s8 =	sadd.s32 s8, s0;
	s19 =	sadd.s32 s0, s14;
	[dreg:$0x9] =	wrdreg s10  }
0x11: {  	s20 =	sadd.s32 $0xA, s14;
	[dreg:$0xa] =	wrdreg s19;
	s10 =	sadd.s32 s5, s7  }
0x12: {  	s21 =	sadd.s32 s9, s20;
	s5 =	sadd.s32 s0, s20;
	s0 =	sadd.s32 s22, s0  }
0x13: {  	[dreg:$0xb] =	wrdreg s21;
	s16 =	sadd.s32 $0x14, s0;
	s0 =	sshrl.u32 @p1 s3, $0x3  }
0x14: {  	p0 =	por !p0, p1;
	[dreg:$0x10] =	wrdreg s0;
	s0 =	simm.s32 @!p2 $0x0  }
0x15: {  	s12 =	ssub.s32 s12, s13;
	[dreg:$0xc] =	wrdreg s5;
	s0 =	simm.s32 @p2 $0x1  }
0x16: {  	s23 =	sadd.s32 $0x1388, s6;
	[smem:$0x7FA] =	sst s0;
	s0 =	sshrl.u32 @!p2 s2, $0x3  }
0x17: {  	s11 =	sadd.s32 $0x4EA00, s18;
	[dreg:$0x11] =	wrdreg s0;
	s0 =	simm.s32 @!p1 $0x0  }
0x18: {  	s17 =	sadd.s32 $0x14, s25;
	[dreg:$0xd] =	wrdreg s11;
	s0 =	simm.s32 @p1 $0x1  }
0x19: {  	s8 =	sadd.s32 $0x3B000, s8;
	[smem:$0x7FB] =	sst s0;
	s0 =	simm.s32 @!p0 $0x0  }
0x1a: {  	[dreg:$0xe] =	wrdreg s8;
	s0 =	simm.s32 @p0 $0x1;
	p0 =	sne.s32 s15, $0x0  }
0x1b: {  	s24 =	smax.u32 s12, $0x1;
	[smem:$0x7FC] =	sst s0;
	s0 =	simm.s32 @!p0 $0x0  }
0x1c: {  	s20 =	simm.s32 $0x7;
	[dreg:$0xf] =	wrdreg s24;
	s0 =	simm.s32 @p0 $0x1  }
0x1d: {  	v2 =	vimm.f32 $1.000000000e+00;
	v0 =	vmov s6;
	s22 =	simm.s32 $0x50;
	v1 =	vmov s23;
	[smem:$0x7FD] =	sst s0;
	s0 =	simm.s32 $0x0  }
.LBB2_1:
0x1e: {  	s5 =	sld [smem:$0x7FB];
	_ =	sdelay $0x2  }
0x1f: {  	s6 =	rddreg [dreg:$0x8];
	p4 =	seq.s32 s5, $0x1  }
0x20: {  	s7 =	rddreg [dreg:$0x10];
	s5 =	simm.s32 @p4 $0x1C47  }
0x21: {  	[spmem:s7], [sflag:s5] =	dma.local @p4 [hbm:s6], $0x9C50  }
0x22: {  	s5 =	simm.s32 @p4 $0x7  }
0x23: {  	_ =	swait.ge @p4 [sflag:s5], $0x9C50  }
0x24: {  	s12 =	sld [smem:$0x7FA];
	_ =	sdelay $0x2  }
0x25: {  	[sflag:s5] =	ssyncset.done @p4 $0x0;
	s6 =	rddreg [dreg:$0x7];
	p5 =	seq.s32 s12, $0x1  }
0x26: {  	s7 =	rddreg [dreg:$0x11];
	[sflag:s5] =	ssyncadd.s32 @p4 $0xFFFF63B0;
	s5 =	simm.s32 @!p5 $0x1C07  }
0x27: {  	[spmem:s7], [sflag:s5] =	dma.local @!p5 [hbm:s6], $0x27100  }
0x28: {  	s5 =	simm.s32 @!p5 $0x7  }
0x29: {  	_ =	swait.ge @!p5 [sflag:s5], $0x27100  }
0x2a: {  	[sflag:s5] =	ssyncset.done @!p5 $0x0  }
0x2b: {  	[sflag:s5] =	ssyncadd.s32 @!p5 $0xFFFD8F00  }
0x2c: {  	[tilespmem:$0x600] =	vst v2  }
0x2d: {  	[tilespmem:$0x610] =	vst v2  }
0x2e: {  	[tilespmem:$0x620] =	vst v2  }
0x2f: {  	[tilespmem:$0x630] =	vst v2  }
0x30: {  	[tilespmem:$0x640] =	vst v2  }
0x31: {  	[bflag:$0x0] =	sbarrier.arrive $0xFFFF  }
0x32: {  	s13 =	rddreg [dreg:$0x9]  }
0x33: {  	[tilespmem:s4], [sflag:$0x7] =	stream.linear.gather [hbm4b:s13+s4], $0x50, $0x38;
	[tilespmem:$0x1DD28] =	vst v63  }
0x34: {  	_ =	swait.ge [sflag:s20], $0x50  }
0x35: {  	s15 =	simm.s32 $0x200;
	s18 =	simm.s32 $0x680;
	[sflag:s20] =	ssyncset.done $0x0  }
0x36: {  	s26 =	smul.u32 $0xAB, s4;
	s14 =	rddreg [dreg:$0xa];
	[sflag:s20] =	ssyncadd.s32 $0xFFFFFFB0  }
0x37: {  	[tilespmem:s15], [sflag:$0x7] =	stream.linear.gather [hbm4b:s14+s4], $0x50, $0x38;
	[tilespmem:$0x1DD28] =	vst v63  }
0x38: {  	s19 =	simm.s32 $0x400;
	s23 =	simm.s32 $0x80;
	_ =	swait.ge [sflag:s20], $0x50  }
0x39: {  	s25 =	simm.s32 $0x280;
	s11 =	sadd.s32 $0xAB, s26;
	[sflag:s20] =	ssyncset.done $0x0  }
0x3a: {  	p1 =	por $0x1, $0x1;
	s11 =	sshrl.u32 s11, $0x9;
	[sflag:s20] =	ssyncadd.s32 $0xFFFFFFB0  }
0x3b: {  	[tilespmem:s18], [sflag:$0x3] =	stream.indirect.gather [hbm4b:s10+s22], $0x80, s4, s22, $0xb8;
	[tilespmem:$0x1DD28] =	vst v63  }
0x3c: {  	p3 =	por @p1 $0x1, $0x1;
	p0 =	por p1, p1;
	s11 =	sand.u32 $0x7F, s11  }
0x3d: {  	[tilespmem:s19], [sflag:$0x4] =	stream.indirect.gather [hbm4b:s1+s22], $0x1, s4, s22, $0xb8;
	[tilespmem:$0x1DD28] =	vst v63  }
0x3e: {  	p2 =	por @p1 $0x0, $0x0;
	s11 =	smul.u32 $0x3, s11;
	s21 =	rddreg [dreg:$0xb]  }
0x3f: {  	[tilespmem:s23], [sflag:$0x1] =	stream.linear.gather [hbm4b:s21+s4], $0x50, $0x38;
	[tilespmem:$0x1DD28] =	vst v63  }
0x40: {  	s8 =	simm.s32 @p0 $0x1;
	s11 =	ssub.s32 $0x1, s11;
	s24 =	rddreg [dreg:$0xc]  }
0x41: {  	[tilespmem:s25], [sflag:$0x2] =	stream.linear.gather [hbm4b:s24+s4], $0x50, $0x38;
	[tilespmem:$0x1DD28] =	vst v63  }
0x42: {  	p3 =	por p3, !p0;
	s11 =	sand.u32 $0xFF, s11;
	_ =	swait.ge @p0 [sflag:s8], $0x50  }
0x43: {  	s9 =	simm.s32 @p0 $0x2;
	s11 =	sshll.u32 @p0 s11, $0x7;
	[sflag:s8] =	ssyncset.done @p0 $0x0  }
0x44: {  	s12 =	sadd.s32 $0x156, s26;
	s21 =	simm.s32 $0x1;
	[sflag:s8] =	ssyncadd.s32 @p0 $0xFFFFFFB0  }
0x45: {  	s12 =	sshrl.u32 s12, $0x9;
	s5 =	sand.u32 $0x1, s21;
	_ =	swait.ge @p0 [sflag:s9], $0x50  }
0x46: {  	s6 =	smul.u32 @p1 $0xA000, s5;
	s8 =	sand.u32 $0x7F, s12;
	[sflag:s9] =	ssyncset.done @p0 $0x0  }
0x47: {  	s12 =	simm.s32 @!p3 $0x5;
	s8 =	smul.u32 $0x3, s8;
	[sflag:s9] =	ssyncadd.s32 @p0 $0xFFFFFFB0  }
0x48: {  	s5 =	sshll.u32 @p1 s5, $0x7;
	s6 =	sshrl.u32 @p1 s6, $0x2;
	_ =	swait.ge @!p3 [sflag:s12], $0x2800  }
0x49: {  	s6 =	sor.u32 @p1 $0x680, s6;
	s8 =	ssub.s32 $0x0, s8;
	[sflag:s12] =	ssyncset.done @!p3 $0x0  }
0x4a: {  	s9 =	simm.s32 @p0 $0x50;
	s8 =	sadd.s32 $0x2, s8;
	[sflag:s12] =	ssyncadd.s32 @!p3 $0xFFFFD800  }
0x4b: {  	[tilespmem:s6], [sflag:$0x3] =	stream.indirect.gather @p0 [hbm4b:s10+s9], $0x80, s11, s9, $0xb8;
	[tilespmem:$0x1DD28] =	vst v63  }
0x4c: {  	s5 =	sor.u32 @p1 $0x400, s5;
	p1 =	por p2, !p0;
	s6 =	sand.u32 $0xFF, s8  }
0x4d: {  	[tilespmem:s5], [sflag:$0x4] =	stream.indirect.gather @p0 [hbm4b:s1+s9], $0x1, s11, s9, $0xb8;
	[tilespmem:$0x1DD28] =	vst v63  }
0x4e: {  	s7 =	sshrl.u32 s26, $0x9;
	s6 =	sshll.u32 @!p1 s6, $0x7;
	s5 =	simm.s32 @!p1 $0x0  }
0x4f: {  	[tilespmem:s6], [sflag:$0x1] =	stream.linear.gather @!p1 [hbm4b:s17+s5], $0x50, $0x38;
	[tilespmem:$0x1DD28] =	vst v63  }
0x50: {  	s7 =	sand.u32 $0x7F, s7;
	s8 =	simm.s32 @!p0 $0x5;
	s6 =	sadd.s32 @!p1 $0x200, s6  }
0x51: {  	[tilespmem:s6], [sflag:$0x2] =	stream.linear.gather @!p1 [hbm4b:s16+s5], $0x50, $0x38;
	[tilespmem:$0x1DD28] =	vst v63  }
0x52: {  	s13 =	smul.u32 $0x3, s7;
	_ =	swait.ge @!p0 [sflag:s8], $0x2800  }
0x53: {  	s14 =	sand.u32 $0x1, s4;
	[sflag:s8] =	ssyncset.done @!p0 $0x0  }
0x54: {  	s15 =	smul.u32 $0xA000, s14;
	s5 =	ssub.s32 $0x0, s13;
	[sflag:s8] =	ssyncadd.s32 @!p0 $0xFFFFD800  }
0x55: {  	s5 =	sand.u32 $0xFF, s5;
	_ =	swait.ge [sflag:s28], $0x2800  }
0x56: {  	s7 =	sshrl.u32 s15, $0x2;
	s5 =	sshll.u32 s5, $0x7;
	[sflag:s28] =	ssyncset.done $0x0  }
0x57: {  	s7 =	sor.u32 $0x680, s7;
	s18 =	sadd.s32 $0x200, s5;
	[sflag:s28] =	ssyncadd.s32 $0xFFFFD800  }
0x58: {  	[spmem:s2] =	stream.indirect.scatter.add.f32 [tilespmem:s7], [sflag:$0x5], $0x80, s18, s22, $0xb8;
	[tilespmem:$0x1DD28] =	vst v63  }
0x59: {  	_ =	swait.ge [sflag:s29], $0x50  }
0x5a: {  	p0 =	por $0x1, $0x1;
	[sflag:s29] =	ssyncset.done $0x0  }
0x5b: {  	s7 =	simm.s32 @!p0 $0x6;
	[sflag:s29] =	ssyncadd.s32 $0xFFFFFFB0  }
0x5c: {  	_ =	swait.ge @!p0 [sflag:s7], $0x50  }
0x5d: {  	[sflag:s7] =	ssyncset.done @!p0 $0x0  }
0x5e: {  	[sflag:s7] =	ssyncadd.s32 @!p0 $0xFFFFFFB0  }
0x5f: {  	v3 =	vld [tilespmem:s5+$0x200]  }
0x60: {  	s19 =	sshll.u32 s14, $0x7  }
0x61: {  	v4 =	vld [tilespmem:s19+$0x400];
	_ =	sdelay $0x2  }
0x62: {  	v5 =	vsub.s32 v3, v0  }
0x63: {  	vm0 =	vge.s32 v3, v0;
	vm1 =	vlt.s32 v3, v1;
	v3 =	vshll.u32 v5, $0x6  }
0x64: {  	vm0 =	vmand vm0, vm1;
	v3 =	vadd.s32 v4, v3  }
0x65: {  	v3 =	vnsel vm0, $0x4E200, v3  }
0x66: {  	[tilespmem:s19+$0x500] =	vst v3  }
0x67: {  	v3 =	vld [tilespmem:s5+$0x210];
	_ =	sdelay $0x1  }
0x68: {  	v56 =	vld [tilespmem:s19+$0x410];
	_ =	sdelay $0x2  }
0x69: {  	v57 =	vsub.s32 v3, v0  }
0x6a: {  	vm8 =	vge.s32 v3, v0;
	vm9 =	vlt.s32 v3, v1;
	v3 =	vshll.u32 v57, $0x6  }
0x6b: {  	vm0 =	vmand vm8, vm9;
	v3 =	vadd.s32 v56, v3  }
0x6c: {  	v3 =	vnsel vm0, $0x4E200, v3  }
0x6d: {  	[tilespmem:s19+$0x510] =	vst v3  }
0x6e: {  	v3 =	vld [tilespmem:s5+$0x220];
	_ =	sdelay $0x1  }
0x6f: {  	v58 =	vld [tilespmem:s19+$0x420];
	_ =	sdelay $0x2  }
0x70: {  	v59 =	vsub.s32 v3, v0  }
0x71: {  	vm10 =	vge.s32 v3, v0;
	vm11 =	vlt.s32 v3, v1;
	v3 =	vshll.u32 v59, $0x6  }
0x72: {  	vm0 =	vmand vm10, vm11;
	v3 =	vadd.s32 v58, v3  }
0x73: {  	v3 =	vnsel vm0, $0x4E200, v3  }
0x74: {  	[tilespmem:s19+$0x520] =	vst v3  }
0x75: {  	v3 =	vld [tilespmem:s5+$0x230];
	_ =	sdelay $0x1  }
0x76: {  	v60 =	vld [tilespmem:s19+$0x430];
	_ =	sdelay $0x2  }
0x77: {  	v61 =	vsub.s32 v3, v0  }
0x78: {  	vm12 =	vge.s32 v3, v0;
	vm13 =	vlt.s32 v3, v1;
	v3 =	vshll.u32 v61, $0x6  }
0x79: {  	vm0 =	vmand vm12, vm13;
	v3 =	vadd.s32 v60, v3  }
0x7a: {  	v3 =	vnsel vm0, $0x4E200, v3  }
0x7b: {  	[tilespmem:s19+$0x530] =	vst v3  }
0x7c: {  	s23 =	simm.s32 $0x2;
	s24 =	sadd.s32 $0xA, s16;
	v3 =	vld [tilespmem:s5+$0x240]  }
0x7d: {  	s25 =	sadd.s32 $0xA, s17;
	p1 =	por $0x1, $0x1;
	s26 =	sld [smem:$0x7FC]  }
0x7e: {  	p2 =	por $0x0, $0x0;
	s12 =	smul.u32 $0xAB, s21;
	p6 =	por p1, p1;
	v62 =	vld [tilespmem:s19+$0x440]  }
0x7f: {  	s13 =	sor.u32 $0x500, s19;
	s11 =	simm.s32 @p6 $0x50;
	s14 =	rddreg [dreg:$0x6]  }
0x80: {  	p0 =	por @!p5 $0x0, $0x0;
	p5 =	por @p4 $0x1, $0x1;
	p3 =	seq.s32 s26, $0x1  }
0x81: {  	p0 =	por @!p3 p2, p2;
	p2 =	por @p1 $0x0, $0x0;
	s5 =	sand.u32 $0x1, s23;
	v63 =	vsub.s32 v3, v0  }
0x82: {  	p5 =	por @!p4 p0, p0;
	p0 =	por @p1 $0x0, $0x0;
	s6 =	smul.u32 @p1 $0xA000, s5;
	vm14 =	vge.s32 v3, v0;
	vm15 =	vlt.s32 v3, v1;
	v3 =	vshll.u32 v63, $0x6  }
0x83: {  	s7 =	simm.s32 @!p6 $0x5;
	p2 =	por p2, !p6;
	p0 =	por p0, !p6;
	vm0 =	vmand vm14, vm15;
	v3 =	vadd.s32 v62, v3  }
0x84: {  	s9 =	simm.s32 @!p2 $0x0;
	s5 =	sshll.u32 @p1 s5, $0x7;
	s6 =	sshrl.u32 @p1 s6, $0x2;
	v3 =	vnsel vm0, $0x4E200, v3  }
0x85: {  	s26 =	sor.u32 @p1 $0x400, s5;
	s5 =	sor.u32 @p1 $0x680, s6;
	s6 =	sand.u32 $0x1, s21;
	[tilespmem:s19+$0x540] =	vst v3  }
.LBB2_2:
0x86: {  	p4 =	sne.s32 s23, $0x7C;
	s15 =	simm.s32 @p6 $0x1  }
0x87: {  	[spmem:s3] =	stream.indirect.scatter.add.f32 [tilespmem:s14], [sflag:$0x6], $0x1, s13, s22, $0xb8;
	[tilespmem:$0x1DD28] =	vst v63  }
0x88: {  	s18 =	simm.s32 @!p0 $0x5;
	s13 =	simm.s32 @p6 $0x2;
	_ =	swait.ge @p6 [sflag:s15], $0x50  }
0x89: {  	s14 =	sadd.s32 $0xAB, s12;
	s19 =	sadd.s32 $0x156, s12;
	[sflag:s15] =	ssyncset.done @p6 $0x0  }
0x8a: {  	s14 =	sshrl.u32 s14, $0x9;
	s19 =	sshrl.u32 s19, $0x9;
	[sflag:s15] =	ssyncadd.s32 @p6 $0xFFFFFFB0  }
0x8b: {  	s14 =	sand.u32 $0x7F, s14;
	s15 =	sand.u32 $0x7F, s19;
	_ =	swait.ge @p6 [sflag:s13], $0x50  }
0x8c: {  	s19 =	sshrl.u32 s12, $0x9;
	s14 =	smul.u32 $0x3, s14;
	[sflag:s13] =	ssyncset.done @p6 $0x0  }
0x8d: {  	s12 =	sand.u32 $0x7F, s19;
	s15 =	smul.u32 $0x3, s15;
	[sflag:s13] =	ssyncadd.s32 @p6 $0xFFFFFFB0  }
0x8e: {  	s12 =	smul.u32 $0x3, s12;
	s14 =	ssub.s32 s23, s14;
	_ =	swait.ge @!p0 [sflag:s18], $0x2800  }
0x8f: {  	s15 =	ssub.s32 s21, s15;
	s13 =	sand.u32 $0xFF, s14;
	[sflag:s18] =	ssyncset.done @!p0 $0x0  }
0x90: {  	s14 =	sadd.s32 $0x2, s15;
	s13 =	sshll.u32 @p6 s13, $0x7;
	[sflag:s18] =	ssyncadd.s32 @!p0 $0xFFFFD800  }
0x91: {  	[tilespmem:s5], [sflag:$0x3] =	stream.indirect.gather @p6 [hbm4b:s10+s11], $0x80, s13, s11, $0xb8;
	[tilespmem:$0x1DD28] =	vst v63  }
0x92: {  	s8 =	smov.u32 s23;
	s18 =	ssub.s32 s21, s12;
	s12 =	sand.u32 $0xFF, s14  }
0x93: {  	[tilespmem:s26], [sflag:$0x4] =	stream.indirect.gather @p6 [hbm4b:s1+s11], $0x1, s13, s11, $0xb8;
	[tilespmem:$0x1DD28] =	vst v63  }
0x94: {  	p1 =	seq.s32 @p4 s23, $0x0;
	s23 =	sadd.s32 $0x1, s23;
	s5 =	sshll.u32 @!p2 s12, $0x7  }
0x95: {  	[tilespmem:s5], [sflag:$0x1] =	stream.linear.gather @!p2 [hbm4b:s25+s9], $0x50, $0x38;
	[tilespmem:$0x1DD28] =	vst v63  }
0x96: {  	s11 =	sand.u32 $0x1, s23;
	s5 =	sadd.s32 @!p2 $0x200, s5  }
0x97: {  	[tilespmem:s5], [sflag:$0x2] =	stream.linear.gather @!p2 [hbm4b:s24+s9], $0x50, $0x38;
	[tilespmem:$0x1DD28] =	vst v63  }
0x98: {  	s12 =	smul.u32 @p4 $0xA000, s11;
	_ =	swait.ge @!p6 [sflag:s7], $0x2800  }
0x99: {  	[sflag:s7] =	ssyncset.done @!p6 $0x0  }
0x9a: {  	s5 =	sshrl.u32 @p4 s12, $0x2;
	s12 =	smul.u32 $0xA000, s6;
	[sflag:s7] =	ssyncadd.s32 @!p6 $0xFFFFD800  }
0x9b: {  	s19 =	sand.u32 $0xFF, s18;
	_ =	swait.ge [sflag:s28], $0x2800  }
0x9c: {  	s15 =	sshll.u32 s19, $0x7;
	s14 =	sshrl.u32 s12, $0x2;
	[sflag:s28] =	ssyncset.done $0x0  }
0x9d: {  	s18 =	sadd.s32 $0x200, s15;
	s9 =	sor.u32 $0x680, s14;
	[sflag:s28] =	ssyncadd.s32 $0xFFFFD800  }
0x9e: {  	[spmem:s2] =	stream.indirect.scatter.add.f32 [tilespmem:s9], [sflag:$0x5], $0x80, s18, s22, $0xb8;
	[tilespmem:$0x1DD28] =	vst v63  }
0x9f: {  	_ =	swait.ge [sflag:s29], $0x50  }
0xa0: {  	p0 =	slt.u32 s21, $0x2;
	s21 =	smov.u32 s8;
	[sflag:s29] =	ssyncset.done $0x0  }
0xa1: {  	p2 =	sgt.u32 @p4 s8, $0x7A;
	s8 =	simm.s32 @!p0 $0x6;
	[sflag:s29] =	ssyncadd.s32 $0xFFFFFFB0  }
0xa2: {  	_ =	swait.ge @!p0 [sflag:s8], $0x50  }
0xa3: {  	[sflag:s8] =	ssyncset.done @!p0 $0x0  }
0xa4: {  	[sflag:s8] =	ssyncadd.s32 @!p0 $0xFFFFFFB0  }
0xa5: {  	v3 =	vld [tilespmem:s15+$0x200]  }
0xa6: {  	s19 =	sshll.u32 s6, $0x7  }
0xa7: {  	v4 =	vld [tilespmem:s19+$0x400];
	_ =	sdelay $0x2  }
0xa8: {  	v8 =	vsub.s32 v3, v0  }
0xa9: {  	vm0 =	vge.s32 v3, v0;
	vm1 =	vlt.s32 v3, v1;
	v8 =	vshll.u32 v8, $0x6  }
0xaa: {  	vm0 =	vmand vm0, vm1;
	v4 =	vadd.s32 v4, v8  }
0xab: {  	v4 =	vnsel vm0, $0x4E200, v4  }
0xac: {  	[tilespmem:s19+$0x500] =	vst v4  }
0xad: {  	v4 =	vld [tilespmem:s15+$0x210];
	_ =	sdelay $0x1  }
0xae: {  	v5 =	vld [tilespmem:s19+$0x410];
	_ =	sdelay $0x2  }
0xaf: {  	v56 =	vsub.s32 v4, v0  }
0xb0: {  	vm8 =	vge.s32 v4, v0;
	vm9 =	vlt.s32 v4, v1;
	v57 =	vshll.u32 v56, $0x6  }
0xb1: {  	vm0 =	vmand vm8, vm9;
	v4 =	vadd.s32 v5, v57  }
0xb2: {  	v4 =	vnsel vm0, $0x4E200, v4  }
0xb3: {  	[tilespmem:s19+$0x510] =	vst v4  }
0xb4: {  	v4 =	vld [tilespmem:s15+$0x220];
	_ =	sdelay $0x1  }
0xb5: {  	v6 =	vld [tilespmem:s19+$0x420];
	_ =	sdelay $0x2  }
0xb6: {  	v58 =	vsub.s32 v4, v0  }
0xb7: {  	vm10 =	vge.s32 v4, v0;
	vm11 =	vlt.s32 v4, v1;
	v59 =	vshll.u32 v58, $0x6  }
0xb8: {  	vm0 =	vmand vm10, vm11;
	v4 =	vadd.s32 v6, v59  }
0xb9: {  	v4 =	vnsel vm0, $0x4E200, v4  }
0xba: {  	[tilespmem:s19+$0x520] =	vst v4  }
0xbb: {  	v4 =	vld [tilespmem:s15+$0x230];
	_ =	sdelay $0x1  }
0xbc: {  	v7 =	vld [tilespmem:s19+$0x430];
	_ =	sdelay $0x2  }
0xbd: {  	v60 =	vsub.s32 v4, v0  }
0xbe: {  	vm12 =	vge.s32 v4, v0;
	vm13 =	vlt.s32 v4, v1;
	v61 =	vshll.u32 v60, $0x6  }
0xbf: {  	vm0 =	vmand vm12, vm13;
	v4 =	vadd.s32 v7, v61  }
0xc0: {  	v4 =	vnsel vm0, $0x4E200, v4  }
0xc1: {  	[tilespmem:s19+$0x530] =	vst v4  }
0xc2: {  	v4 =	vld [tilespmem:s15+$0x240];
	_ =	sdelay $0x1  }
0xc3: {  	v3 =	vld [tilespmem:s19+$0x440];
	_ =	sdelay $0x1  }
0xc4: {  	p3 =	sne.s32 s23, $0x7D;
	s11 =	sshll.u32 @p4 s11, $0x7  }
.Ltmp0:
0xc5: {  	s13 =	sor.u32 $0x500, s19;
	s26 =	sor.u32 @p4 $0x400, s11;
	v62 =	vsub.s32 v4, v0;
	(pc) =	sbr.rel @p3 .LBB2_2-.Ltmp0, $4  }
0xc6: {  	s25 =	sadd.s32 $0xA, s25;
	s24 =	sadd.s32 $0xA, s24;
	s6 =	sand.u32 $0x1, s21;
	vm14 =	vge.s32 v4, v0;
	vm15 =	vlt.s32 v4, v1;
	v63 =	vshll.u32 v62, $0x6  }
0xc7: {  	s5 =	sor.u32 @p4 $0x680, s5;
	s12 =	smul.u32 $0xAB, s21;
	p6 =	por p4, p4;
	vm0 =	vmand vm14, vm15;
	v3 =	vadd.s32 v3, v63  }
0xc8: {  	s11 =	simm.s32 @p6 $0x50;
	p2 =	por p2, !p6;
	s7 =	simm.s32 @!p6 $0x5;
	v3 =	vnsel vm0, $0x4E200, v3  }
0xc9: {  	s9 =	simm.s32 @!p2 $0x0;
	s14 =	rddreg [dreg:$0x6];
	p0 =	por p1, !p6;
	[tilespmem:s19+$0x540] =	vst v3  }
0xca: {  	[spmem:s3] =	stream.indirect.scatter.add.f32 [tilespmem:s14], [sflag:$0x6], $0x1, s13, s22, $0xb8;
	[tilespmem:$0x1DD28] =	vst v63  }
0xcb: {  	s8 =	simm.s32 @p6 $0x1  }
0xcc: {  	_ =	swait.ge @p6 [sflag:s8], $0x50  }
0xcd: {  	s19 =	sadd.s32 $0xAB, s12;
	[sflag:s8] =	ssyncset.done @p6 $0x0  }
0xce: {  	s13 =	sshrl.u32 s19, $0x9;
	[sflag:s8] =	ssyncadd.s32 @p6 $0xFFFFFFB0;
	s8 =	simm.s32 @p6 $0x2  }
0xcf: {  	s13 =	sand.u32 $0x7F, s13;
	_ =	swait.ge @p6 [sflag:s8], $0x50  }
0xd0: {  	s13 =	smul.u32 $0x3, s13;
	[sflag:s8] =	ssyncset.done @p6 $0x0  }
0xd1: {  	[sflag:s8] =	ssyncadd.s32 @p6 $0xFFFFFFB0;
	s8 =	simm.s32 @!p0 $0x5  }
0xd2: {  	s13 =	ssub.s32 s23, s13;
	_ =	swait.ge @!p0 [sflag:s8], $0x2800  }
0xd3: {  	s13 =	sand.u32 $0xFF, s13;
	[sflag:s8] =	ssyncset.done @!p0 $0x0  }
0xd4: {  	s14 =	sadd.s32 $0x156, s12;
	[sflag:s8] =	ssyncadd.s32 @!p0 $0xFFFFD800;
	s8 =	sshll.u32 @p6 s13, $0x7  }
0xd5: {  	[tilespmem:s5], [sflag:$0x3] =	stream.indirect.gather @p6 [hbm4b:s10+s11], $0x80, s8, s11, $0xb8;
	[tilespmem:$0x1DD28] =	vst v63  }
0xd6: {  	s5 =	sshrl.u32 s14, $0x9  }
0xd7: {  	s5 =	sand.u32 $0x7F, s5  }
0xd8: {  	s5 =	smul.u32 $0x3, s5  }
0xd9: {  	[tilespmem:s26], [sflag:$0x4] =	stream.indirect.gather @p6 [hbm4b:s1+s11], $0x1, s8, s11, $0xb8;
	[tilespmem:$0x1DD28] =	vst v63  }
0xda: {  	s5 =	ssub.s32 s21, s5  }
0xdb: {  	s5 =	sadd.s32 $0x2, s5  }
0xdc: {  	s5 =	sand.u32 $0xFF, s5  }
0xdd: {  	s5 =	sshll.u32 @!p2 s5, $0x7  }
0xde: {  	[tilespmem:s5], [sflag:$0x1] =	stream.linear.gather @!p2 [hbm4b:s25+s9], $0x50, $0x38;
	[tilespmem:$0x1DD28] =	vst v63  }
0xdf: {  	s15 =	sshrl.u32 s12, $0x9;
	s5 =	sadd.s32 @!p2 $0x200, s5  }
0xe0: {  	[tilespmem:s5], [sflag:$0x2] =	stream.linear.gather @!p2 [hbm4b:s24+s9], $0x50, $0x38;
	[tilespmem:$0x1DD28] =	vst v63  }
0xe1: {  	s5 =	sand.u32 $0x7F, s15  }
0xe2: {  	s5 =	smul.u32 $0x3, s5;
	_ =	swait.ge @!p6 [sflag:s7], $0x2800  }
0xe3: {  	[sflag:s7] =	ssyncset.done @!p6 $0x0  }
0xe4: {  	s18 =	smul.u32 $0xA000, s6;
	s5 =	ssub.s32 s21, s5;
	[sflag:s7] =	ssyncadd.s32 @!p6 $0xFFFFD800  }
0xe5: {  	s5 =	sand.u32 $0xFF, s5;
	_ =	swait.ge [sflag:s28], $0x2800  }
0xe6: {  	s7 =	sshrl.u32 s18, $0x2;
	[sflag:s28] =	ssyncset.done $0x0;
	s5 =	sshll.u32 s5, $0x7  }
0xe7: {  	s7 =	sor.u32 $0x680, s7;
	[sflag:s28] =	ssyncadd.s32 $0xFFFFD800;
	s19 =	sadd.s32 $0x200, s5  }
0xe8: {  	[spmem:s2] =	stream.indirect.scatter.add.f32 [tilespmem:s7], [sflag:$0x5], $0x80, s19, s22, $0xb8;
	[tilespmem:$0x1DD28] =	vst v63  }
0xe9: {  	_ =	swait.ge [sflag:s29], $0x50  }
0xea: {  	p0 =	slt.u32 s21, $0x2;
	[sflag:s29] =	ssyncset.done $0x0  }
0xeb: {  	s7 =	simm.s32 @!p0 $0x6;
	[sflag:s29] =	ssyncadd.s32 $0xFFFFFFB0  }
0xec: {  	_ =	swait.ge @!p0 [sflag:s7], $0x50  }
0xed: {  	[sflag:s7] =	ssyncset.done @!p0 $0x0  }
0xee: {  	[sflag:s7] =	ssyncadd.s32 @!p0 $0xFFFFFFB0  }
0xef: {  	v3 =	vld [tilespmem:s5+$0x200]  }
0xf0: {  	s23 =	sshll.u32 s6, $0x7  }
0xf1: {  	v4 =	vld [tilespmem:s23+$0x400];
	_ =	sdelay $0x2  }
0xf2: {  	v5 =	vsub.s32 v3, v0  }
0xf3: {  	vm0 =	vge.s32 v3, v0;
	vm1 =	vlt.s32 v3, v1;
	v3 =	vshll.u32 v5, $0x6  }
0xf4: {  	vm0 =	vmand vm0, vm1;
	v3 =	vadd.s32 v4, v3  }
0xf5: {  	v3 =	vnsel vm0, $0x4E200, v3  }
0xf6: {  	[tilespmem:s23+$0x500] =	vst v3  }
0xf7: {  	v3 =	vld [tilespmem:s5+$0x210];
	_ =	sdelay $0x1  }
0xf8: {  	v56 =	vld [tilespmem:s23+$0x410];
	_ =	sdelay $0x2  }
0xf9: {  	v57 =	vsub.s32 v3, v0  }
0xfa: {  	vm8 =	vge.s32 v3, v0;
	vm9 =	vlt.s32 v3, v1;
	v3 =	vshll.u32 v57, $0x6  }
0xfb: {  	vm0 =	vmand vm8, vm9;
	v3 =	vadd.s32 v56, v3  }
0xfc: {  	v3 =	vnsel vm0, $0x4E200, v3  }
0xfd: {  	[tilespmem:s23+$0x510] =	vst v3  }
0xfe: {  	v3 =	vld [tilespmem:s5+$0x220];
	_ =	sdelay $0x1  }
0xff: {  	v58 =	vld [tilespmem:s23+$0x420];
	_ =	sdelay $0x2  }
0x100: {  	v59 =	vsub.s32 v3, v0  }
0x101: {  	vm10 =	vge.s32 v3, v0;
	vm11 =	vlt.s32 v3, v1;
	v3 =	vshll.u32 v59, $0x6  }
0x102: {  	vm0 =	vmand vm10, vm11;
	v3 =	vadd.s32 v58, v3  }
0x103: {  	v3 =	vnsel vm0, $0x4E200, v3  }
0x104: {  	[tilespmem:s23+$0x520] =	vst v3  }
0x105: {  	v3 =	vld [tilespmem:s5+$0x230];
	_ =	sdelay $0x1  }
0x106: {  	v60 =	vld [tilespmem:s23+$0x430];
	_ =	sdelay $0x2  }
0x107: {  	v61 =	vsub.s32 v3, v0  }
0x108: {  	vm12 =	vge.s32 v3, v0;
	vm13 =	vlt.s32 v3, v1;
	v3 =	vshll.u32 v61, $0x6  }
0x109: {  	vm0 =	vmand vm12, vm13;
	v3 =	vadd.s32 v60, v3  }
0x10a: {  	v3 =	vnsel vm0, $0x4E200, v3  }
0x10b: {  	[tilespmem:s23+$0x530] =	vst v3  }
0x10c: {  	v3 =	vld [tilespmem:s5+$0x240];
	_ =	sdelay $0x1  }
0x10d: {  	v62 =	vld [tilespmem:s23+$0x440];
	_ =	sdelay $0x2  }
0x10e: {  	v63 =	vsub.s32 v3, v0  }
0x10f: {  	vm14 =	vge.s32 v3, v0;
	vm15 =	vlt.s32 v3, v1;
	v3 =	vshll.u32 v63, $0x6  }
0x110: {  	vm0 =	vmand vm14, vm15;
	v3 =	vadd.s32 v62, v3  }
0x111: {  	v3 =	vnsel vm0, $0x4E200, v3  }
0x112: {  	s6 =	sor.u32 $0x500, s23;
	s24 =	rddreg [dreg:$0x6];
	[tilespmem:s23+$0x540] =	vst v3  }
0x113: {  	[spmem:s3] =	stream.indirect.scatter.add.f32 [tilespmem:s24], [sflag:$0x6], $0x1, s6, s22, $0xb8;
	[tilespmem:$0x1DD28] =	vst v63  }
0x114: {  	_ =	swait.ge [sflag:s30], $0x2800  }
0x115: {  	[sflag:s30] =	ssyncset.done $0x0  }
0x116: {  	[sflag:s30] =	ssyncadd.s32 $0xFFFFD800  }
0x117: {  	_ =	swait.ge [sflag:s31], $0x50  }
0x118: {  	[sflag:s31] =	ssyncset.done $0x0  }
0x119: {  	[sflag:s31] =	ssyncadd.s32 $0xFFFFFFB0  }
0x11a: {  	_ =	swait.ge [sflag:s31], $0x50  }
0x11b: {  	[sflag:s31] =	ssyncset.done $0x0  }
0x11c: {  	[sflag:s31] =	ssyncadd.s32 $0xFFFFFFB0  }
0x11d: {  	[bflag:$0x0] =	sbarrier.arrive $0xFFFF  }
0x11e: {  	s25 =	sld [smem:$0x7FD];
	_ =	sdelay $0x2  }
0x11f: {  	p0 =	seq.s32 s25, $0x1  }
0x120: {  	s7 =	rddreg [dreg:$0xd];
	s5 =	sshrl.u32 @!p0 s2, $0x3;
	s6 =	simm.s32 @!p0 $0x1C07  }
0x121: {  	[hbm:s7], [sflag:s6] =	dma.local @!p0 [spmem:s5], $0x27100  }
0x122: {  	s5 =	simm.s32 @!p0 $0x7  }
0x123: {  	s6 =	stileid.u32;
	_ =	swait.ge @!p0 [sflag:s5], $0x27100  }
0x124: {  	s6 =	sshll.u32 @p5 s6, $0x6;
	[sflag:s5] =	ssyncset.done @!p0 $0x0;
	s7 =	rddreg [dreg:$0xe]  }
0x125: {  	[sflag:s5] =	ssyncadd.s32 @!p0 $0xFFFD8F00;
	s5 =	sor.u32 @p5 $0x1C07, s6;
	s6 =	sshrl.u32 @p5 s3, $0x3  }
0x126: {  	[hbm:s7], [sflag:s5] =	dma.local @p5 [spmem:s6], $0x9C50  }
0x127: {  	s5 =	simm.s32 @p5 $0x7  }
0x128: {  	_ =	swait.ge @p5 [sflag:s5], $0x9C50  }
0x129: {  	s0 =	sadd.s32 $0x1, s0;
	s26 =	rddreg [dreg:$0xf]  }
0x12a: {  	p0 =	sne.s32 s0, s26  }
.Ltmp1:
0x12b: {  	_ = 	snop;
	(pc) =	sbr.rel @p0 .LBB2_1-.Ltmp1, $3  }
0x12c: {  	_ =	sdelay $0x1  }
0x12d: {  	[sflag:s5] =	ssyncset.done @p5 $0x0  }
0x12e: {  	[sflag:s5] =	ssyncadd.s32 @p5 $0xFFFF63B0  }
0x12f: {  	_ =	sfence.sel $0x180000  }
0x130: {  	[bflag:$0x0] =	sbarrier.arrive $0xFFFF  }
0x131: {  	_ =	strace $0x90000047  }
0x132: {  	[bflag:$0x2] =	sbarrier.arrive $0xFFFF  }
0x133: {  	s1 =	sld [smem:$0x7FD];
	_ =	sdelay $0x2  }
0x134: {  	s0 =	rddreg [dreg:$0x5];
	p0 =	seq.s32 s1, $0x1  }
0x135: {  	s0 =	sadd.s32 @!p0 $0x100000, s0  }
0x136: {  	[sflag:s0] =	ssyncadd.tile.s32 @!p0 $0x1;
	_ =	shalt  }
.Lfunc_end2:
_tile_overlayer_lowered:
.L_overlay_start_2:
0x137: {  	(tag) =	ssettag $0x2  }
0x138: {  	s0 =	rddreg [dreg:$0x0];
	s2 =	stileid.u32  }
0x139: {  	s1 =	rddreg [dreg:$0x1];
	p0 =	sne.s32 s2, $0x0  }
0x13a: {  	s3 =	rddreg [dreg:$0x2];
	[bflag:$0x3] =	sbarrier.arrive $0xFFFF;
	s2 =	simm.s32 @!p0 $0x1C07  }
0x13b: {  	[timem:s3], [sflag:s2] =	dma.local @!p0 [hbm:s0], s1  }
0x13c: {  	s0 =	simm.s32 @!p0 $0x7  }
0x13d: {  	_ =	swait.ge @!p0 [sflag:s0], s1  }
0x13e: {  	s1 =	ssub.s32 @!p0 $0x0, s1;
	[sflag:s0] =	ssyncset.done @!p0 $0x0  }
0x13f: {  	[sflag:s0] =	ssyncadd.s32 @!p0 s1  }
0x140: {  	[bflag:$0x3] =	sbarrier.arrive $0xFFFF  }
0x141: {  	_ =	shalt  }

</sc_bundles>
